<compile_context>
chip_gen: v7x
topology: tpu7x:2x2x1
jax: 0.10.2.dev20260603
libtpu: 0.0.44.dev20260713+nightly
codegen_flags: <defaults>
</compile_context>

<pallas_src>
import functools
import math

import jax
import jax.numpy as jnp
from jax import lax
from jax.experimental import pallas as pl
from jax.experimental.pallas import tpu as pltpu
from jax.experimental.pallas import tpu_sc as plsc

_VOCAB = 1000000
_D = 64
_MAX_LEN = 50
_BATCH = 4096

_NC = 2
_NS = 16
_NW = _NC * _NS
_BPW = _BATCH // _NW
_SCALE = math.sqrt(_D)
_LANES = 16


def _pe_table():
    pos = jnp.arange(_MAX_LEN, dtype=jnp.float32)[:, None]
    i_even = jnp.arange(0, _D, 2, dtype=jnp.float32)[None, :]
    sin_part = jnp.sin(pos / jnp.power(10000.0, 2.0 * i_even / _D))
    cos_part = jnp.cos(pos / jnp.power(10000.0, 2.0 * (i_even + 1.0) / _D))
    pe = jnp.zeros((_MAX_LEN, _D), dtype=jnp.float32)
    pe = pe.at[:, 0::2].set(sin_part)
    pe = pe.at[:, 1::2].set(cos_part)
    return pe


_mesh = plsc.VectorSubcoreMesh(core_axis_name="c", subcore_axis_name="s")


@functools.partial(
    pl.kernel,
    mesh=_mesh,
    out_type=jax.ShapeDtypeStruct(
        (_MAX_LEN, _D // 8, _BATCH // 128, 8, 128), jnp.float32),
    compiler_params=pltpu.CompilerParams(
        use_tc_tiling_on_sc=False, needs_layout_passes=False),
    scratch_types=[
        pltpu.VMEM((_MAX_LEN, _BPW), jnp.int32),
        pltpu.VMEM((_MAX_LEN, _D), jnp.float32),
        pltpu.VMEM((_BPW, _D), jnp.float32),
        pltpu.VMEM((_BPW, _D), jnp.float32),
        pltpu.VMEM((8, 8, _BPW + 1), jnp.float32),
        pltpu.VMEM((8, 8, _BPW + 1), jnp.float32),
        pltpu.SemaphoreType.DMA,
        pltpu.SemaphoreType.DMA,
        pltpu.SemaphoreType.DMA,
        pltpu.SemaphoreType.DMA,
    ],
)
def _sc_embed(idx_hbm, pe_hbm, table_hbm, out_hbm,
              idx_v, pe_v, buf0, buf1, tb0, tb1, g0, g1, w0, w1):
    wid = lax.axis_index("s") * _NC + lax.axis_index("c")
    bs = wid * _BPW

    pltpu.sync_copy(idx_hbm.at[:, pl.ds(bs, _BPW)], idx_v)
    pltpu.sync_copy(pe_hbm, pe_v)

    def gather_start(t, buf, sem):
        pltpu.async_copy(table_hbm.at[idx_v.at[t]], buf, sem)

    def gather_wait(buf, sem):
        pltpu.make_async_copy(table_hbm.at[idx_v.at[0]], buf, sem).wait()

    def wb_start(t, tb, sem):
        pltpu.async_copy(
            tb.at[:, :, pl.ds(0, _BPW)], out_hbm.at[t, :, wid], sem)

    def wb_wait(tb, sem):
        pltpu.make_async_copy(
            tb.at[:, :, pl.ds(0, _BPW)], out_hbm.at[0, :, wid], sem).wait()

    lane = lax.broadcasted_iota(jnp.int32, (_LANES,), 0)
    dtvs = [lane // 8 + 2 * dv for dv in range(_D // _LANES)]
    ddv = lane % 8

    def compute(t, buf, tb):
        pevs = [pe_v[t, pl.ds(dv * _LANES, _LANES)]
                for dv in range(_D // _LANES)]

        def jbody(j, c):
            jv = jnp.zeros((_LANES,), jnp.int32) + j
            for dv in range(_D // _LANES):
                vals = buf[j, pl.ds(dv * _LANES, _LANES)]
                plsc.store_scatter(
                    tb, [dtvs[dv], ddv, jv], vals * _SCALE + pevs[dv])
            return c

        lax.fori_loop(0, _BPW, jbody, 0, unroll=4)

    gather_start(0, buf0, g0)

    def body(h, c):
        t0 = 2 * h
        t1 = 2 * h + 1

        @pl.when(h > 0)
        def _():
            wb_wait(tb1, w1)

        gather_start(t1, buf1, g1)
        gather_wait(buf0, g0)
        compute(t0, buf0, tb0)
        wb_start(t0, tb0, w0)

        @pl.when(h + 1 < _MAX_LEN // 2)
        def _():
            wb_wait(tb0, w0)
            gather_start(t0 + 2, buf0, g0)

        gather_wait(buf1, g1)
        compute(t1, buf1, tb1)
        wb_start(t1, tb1, w1)
        return c

    lax.fori_loop(0, _MAX_LEN // 2, body, 0)

    wb_wait(tb0, w0)
    wb_wait(tb1, w1)


def kernel(encoded_words, embed_weight):
    idx_t = encoded_words.astype(jnp.int32).T
    pe = _pe_table()
    out5 = _sc_embed(idx_t, pe, embed_weight)
    out = out5.transpose(2, 4, 0, 1, 3).reshape(_BATCH, _MAX_LEN, _D)
    return out

# --- scband reference (transcript-rebuilt; emitter-appended) ---
"""Pipeline reference for scband-embeddings-39032662786135 (READ-ONLY COPY).

The authoritative reference and input builder live on the scoring server;
editing this copy changes nothing except your own understanding.
"""

import jax, jax.numpy as jnp
import numpy as np
import math

VOCAB = 1000000
D_MODEL = 64
MAX_LEN = 50
BATCH = 4096


def create_positional_encoding(max_len, d_model):
    # Faithful to the torch loop:
    # pe[pos, i]   = sin(pos / 10000 ** (2*i / d_model))        for even i
    # pe[pos, i+1] = cos(pos / 10000 ** (2*(i+1) / d_model))    for odd slots
    pos = jnp.arange(max_len, dtype=jnp.float32)[:, None]  # (max_len, 1)
    i_even = jnp.arange(0, d_model, 2, dtype=jnp.float32)[None, :]  # (1, d_model/2)
    sin_part = jnp.sin(pos / jnp.power(10000.0, 2.0 * i_even / d_model))
    cos_part = jnp.cos(pos / jnp.power(10000.0, 2.0 * (i_even + 1.0) / d_model))
    pe = jnp.zeros((max_len, d_model), dtype=jnp.float32)
    pe = pe.at[:, 0::2].set(sin_part)
    pe = pe.at[:, 1::2].set(cos_part)
    return pe[None, :, :]  # (1, max_len, d_model)


def setup_inputs(seed: int = 0) -> dict:
    key = jax.random.key(seed)
    k_idx, k_emb = jax.random.split(key)
    encoded_words = jax.random.randint(k_idx, (BATCH, MAX_LEN), 0, VOCAB, dtype=jnp.int64 if jax.config.jax_enable_x64 else jnp.int32)
    embed_weight = jax.random.normal(k_emb, (VOCAB, D_MODEL), dtype=jnp.float32)  # nn.Embedding default N(0,1)
    return {"encoded_words": encoded_words, "embed_weight": embed_weight}


def reference(encoded_words, embed_weight):
    pe = create_positional_encoding(MAX_LEN, D_MODEL)
    embedding = jnp.take(embed_weight, encoded_words, axis=0) * math.sqrt(D_MODEL)
    embedding = embedding + pe[:, : embedding.shape[1]]
    # dropout is identity in eval/inference mode
    return embedding

if __name__ == "__main__":
    import jax
    _d = setup_inputs()
    print(jax.jit(kernel)(*tuple(_d.values())))

</pallas_src>

<mosaic_0001>
#map = affine_map<(d0, d1) -> (0, 0)>
#map1 = affine_map<(d0, d1) -> (0, 0, 0, 0, 0)>
module attributes {stable_mosaic.version = 14 : i64} {
  func.func @_sc_embed(%arg0: i32, %arg1: i32, %arg2: memref<50x4096xi32, #tpu.memory_space<hbm>>, %arg3: memref<50x64xf32, #tpu.memory_space<hbm>>, %arg4: memref<1000000x64xf32, #tpu.memory_space<hbm>>, %arg5: memref<50x8x32x8x128xf32, #tpu.memory_space<hbm>>, %arg6: memref<50x128xi32, #tpu.memory_space<vmem>>, %arg7: memref<50x64xf32, #tpu.memory_space<vmem>>, %arg8: memref<128x64xf32, #tpu.memory_space<vmem>>, %arg9: memref<128x64xf32, #tpu.memory_space<vmem>>, %arg10: memref<8x8x129xf32, #tpu.memory_space<vmem>>, %arg11: memref<8x8x129xf32, #tpu.memory_space<vmem>>, %arg12: memref<!tpu.dma_semaphore, #tpu.memory_space<semaphore_mem>>, %arg13: memref<!tpu.dma_semaphore, #tpu.memory_space<semaphore_mem>>, %arg14: memref<!tpu.dma_semaphore, #tpu.memory_space<semaphore_mem>>, %arg15: memref<!tpu.dma_semaphore, #tpu.memory_space<semaphore_mem>>) attributes {dimension_semantics = [#tpu.dimension_semantics<core_parallel>, #tpu.dimension_semantics<subcore_parallel>], iteration_bounds = array<i64: 2, 16>, scalar_prefetch = 0 : i64, scratch_operands = 10 : i64, tpu.core_type = #tpu.core_type<sc_vector_subcore>, window_params = [{transform_indices = #map}, {transform_indices = #map}, {transform_indices = #map}, {transform_indices = #map1}]} {
    %mul3A = arith.constant 2 : i32
    %mul3A_0 = arith.muli %arg1, %mul3A : i32
    %add3A = arith.addi %mul3A_0, %arg0 : i32
    %mul3A_1 = arith.constant 128 : i32
    %mul3A_2 = arith.muli %add3A, %mul3A_1 : i32
    "tpu.region"() ({
      %run_scoped3A = tpu.sem_alloc : memref<!tpu.dma_semaphore, #tpu.memory_space<semaphore_mem>>
      %dma_start3A_199 = arith.constant 0 : i32
      %dma_start3A_200 = tpu.memref_slice %arg2[%dma_start3A_199, %mul3A_2] : memref<50x4096xi32, #tpu.memory_space<hbm>> -> memref<50x128xi32, #tpu.memory_space<hbm>>
      %dma_start3A_201 = arith.constant 0 : i32
      %dma_start3A_202 = tpu.memref_slice %arg2[%dma_start3A_201, %mul3A_2] : memref<50x4096xi32, #tpu.memory_space<hbm>> -> memref<50x128xi32, #tpu.memory_space<hbm>>
      tpu.enqueue_dma source(%dma_start3A_202 : memref<50x128xi32, #tpu.memory_space<hbm>>) target(%arg6 : memref<50x128xi32, #tpu.memory_space<vmem>>) target_semaphore(%run_scoped3A : memref<!tpu.dma_semaphore, #tpu.memory_space<semaphore_mem>>)
      %dma_wait3A_203 = arith.constant 0 : i32
      %dma_wait3A_204 = tpu.memref_slice %arg2[%dma_wait3A_203, %mul3A_2] : memref<50x4096xi32, #tpu.memory_space<hbm>> -> memref<50x128xi32, #tpu.memory_space<hbm>>
      %dma_wait3A_205 = arith.constant 0 : i32
      %dma_wait3A_206 = tpu.memref_slice %arg2[%dma_wait3A_205, %mul3A_2] : memref<50x4096xi32, #tpu.memory_space<hbm>> -> memref<50x128xi32, #tpu.memory_space<hbm>>
      tpu.wait_dma2 semaphore(%run_scoped3A : memref<!tpu.dma_semaphore, #tpu.memory_space<semaphore_mem>>) src(%dma_wait3A_206 : memref<50x128xi32, #tpu.memory_space<hbm>>) dst(%arg6 : memref<50x128xi32, #tpu.memory_space<vmem>>)
      tpu.yield
    }) : () -> ()
    "tpu.region"() ({
      %run_scoped3A = tpu.sem_alloc : memref<!tpu.dma_semaphore, #tpu.memory_space<semaphore_mem>>
      tpu.enqueue_dma source(%arg3 : memref<50x64xf32, #tpu.memory_space<hbm>>) target(%arg7 : memref<50x64xf32, #tpu.memory_space<vmem>>) target_semaphore(%run_scoped3A : memref<!tpu.dma_semaphore, #tpu.memory_space<semaphore_mem>>)
      tpu.wait_dma2 semaphore(%run_scoped3A : memref<!tpu.dma_semaphore, #tpu.memory_space<semaphore_mem>>) src(%arg3 : memref<50x64xf32, #tpu.memory_space<hbm>>) dst(%arg7 : memref<50x64xf32, #tpu.memory_space<vmem>>)
      tpu.yield
    }) : () -> ()
    %iota3A = tpu.iota {dimensions = array<i32: 0>} : vector<16xi32>
    %jit3A = arith.constant 8 : i32
    %div3A = vector.broadcast %jit3A : i32 to vector<16xi32>
    %div3A_3 = arith.divsi %iota3A, %div3A : vector<16xi32>
    %sign3A = arith.constant 0 : i32
    %sign3A_4 = vector.broadcast %sign3A : i32 to vector<16xi32>
    %sign3A_5 = arith.cmpi sgt, %iota3A, %sign3A_4 : vector<16xi32>
    %sign3A_6 = arith.extui %sign3A_5 : vector<16xi1> to vector<16xi32>
    %sign3A_7 = arith.constant 0 : i32
    %sign3A_8 = vector.broadcast %sign3A_7 : i32 to vector<16xi32>
    %sign3A_9 = arith.cmpi slt, %iota3A, %sign3A_8 : vector<16xi32>
    %sign3A_10 = arith.extui %sign3A_9 : vector<16xi1> to vector<16xi32>
    %sign3A_11 = arith.subi %sign3A_6, %sign3A_10 : vector<16xi32>
    %sign3A_12 = arith.constant 0 : i32
    %sign3A_13 = arith.cmpi sgt, %jit3A, %sign3A_12 : i32
    %sign3A_14 = arith.extui %sign3A_13 : i1 to i32
    %sign3A_15 = arith.constant 0 : i32
    %sign3A_16 = arith.cmpi slt, %jit3A, %sign3A_15 : i32
    %sign3A_17 = arith.extui %sign3A_16 : i1 to i32
    %sign3A_18 = arith.subi %sign3A_14, %sign3A_17 : i32
    %ne3A = vector.broadcast %sign3A_18 : i32 to vector<16xi32>
    %ne3A_19 = arith.cmpi ne, %sign3A_11, %ne3A : vector<16xi32>
    %rem3A = vector.broadcast %jit3A : i32 to vector<16xi32>
    %rem3A_20 = arith.remsi %iota3A, %rem3A : vector<16xi32>
    %ne3A_21 = arith.constant 0 : i32
    %ne3A_22 = vector.broadcast %ne3A_21 : i32 to vector<16xi32>
    %ne3A_23 = arith.cmpi ne, %rem3A_20, %ne3A_22 : vector<16xi32>
    %and3A = arith.andi %ne3A_19, %ne3A_23 : vector<16xi1>
    %sub3A = arith.constant 1 : i32
    %sub3A_24 = vector.broadcast %sub3A : i32 to vector<16xi32>
    %sub3A_25 = arith.subi %div3A_3, %sub3A_24 : vector<16xi32>
    %select_n3A = arith.select %and3A, %sub3A_25, %div3A_3 : vector<16xi1>, vector<16xi32>
    %add3A_26 = arith.constant 0 : i32
    %add3A_27 = vector.broadcast %add3A_26 : i32 to vector<16xi32>
    %add3A_28 = arith.addi %select_n3A, %add3A_27 : vector<16xi32>
    %jit3A_29 = arith.constant 8 : i32
    %div3A_30 = vector.broadcast %jit3A_29 : i32 to vector<16xi32>
    %div3A_31 = arith.divsi %iota3A, %div3A_30 : vector<16xi32>
    %sign3A_32 = arith.constant 0 : i32
    %sign3A_33 = vector.broadcast %sign3A_32 : i32 to vector<16xi32>
    %sign3A_34 = arith.cmpi sgt, %iota3A, %sign3A_33 : vector<16xi32>
    %sign3A_35 = arith.extui %sign3A_34 : vector<16xi1> to vector<16xi32>
    %sign3A_36 = arith.constant 0 : i32
    %sign3A_37 = vector.broadcast %sign3A_36 : i32 to vector<16xi32>
    %sign3A_38 = arith.cmpi slt, %iota3A, %sign3A_37 : vector<16xi32>
    %sign3A_39 = arith.extui %sign3A_38 : vector<16xi1> to vector<16xi32>
    %sign3A_40 = arith.subi %sign3A_35, %sign3A_39 : vector<16xi32>
    %sign3A_41 = arith.constant 0 : i32
    %sign3A_42 = arith.cmpi sgt, %jit3A_29, %sign3A_41 : i32
    %sign3A_43 = arith.extui %sign3A_42 : i1 to i32
    %sign3A_44 = arith.constant 0 : i32
    %sign3A_45 = arith.cmpi slt, %jit3A_29, %sign3A_44 : i32
    %sign3A_46 = arith.extui %sign3A_45 : i1 to i32
    %sign3A_47 = arith.subi %sign3A_43, %sign3A_46 : i32
    %ne3A_48 = vector.broadcast %sign3A_47 : i32 to vector<16xi32>
    %ne3A_49 = arith.cmpi ne, %sign3A_40, %ne3A_48 : vector<16xi32>
    %rem3A_50 = vector.broadcast %jit3A_29 : i32 to vector<16xi32>
    %rem3A_51 = arith.remsi %iota3A, %rem3A_50 : vector<16xi32>
    %ne3A_52 = arith.constant 0 : i32
    %ne3A_53 = vector.broadcast %ne3A_52 : i32 to vector<16xi32>
    %ne3A_54 = arith.cmpi ne, %rem3A_51, %ne3A_53 : vector<16xi32>
    %and3A_55 = arith.andi %ne3A_49, %ne3A_54 : vector<16xi1>
    %sub3A_56 = arith.constant 1 : i32
    %sub3A_57 = vector.broadcast %sub3A_56 : i32 to vector<16xi32>
    %sub3A_58 = arith.subi %div3A_31, %sub3A_57 : vector<16xi32>
    %select_n3A_59 = arith.select %and3A_55, %sub3A_58, %div3A_31 : vector<16xi1>, vector<16xi32>
    %add3A_60 = arith.constant 2 : i32
    %add3A_61 = vector.broadcast %add3A_60 : i32 to vector<16xi32>
    %add3A_62 = arith.addi %select_n3A_59, %add3A_61 : vector<16xi32>
    %jit3A_63 = arith.constant 8 : i32
    %div3A_64 = vector.broadcast %jit3A_63 : i32 to vector<16xi32>
    %div3A_65 = arith.divsi %iota3A, %div3A_64 : vector<16xi32>
    %sign3A_66 = arith.constant 0 : i32
    %sign3A_67 = vector.broadcast %sign3A_66 : i32 to vector<16xi32>
    %sign3A_68 = arith.cmpi sgt, %iota3A, %sign3A_67 : vector<16xi32>
    %sign3A_69 = arith.extui %sign3A_68 : vector<16xi1> to vector<16xi32>
    %sign3A_70 = arith.constant 0 : i32
    %sign3A_71 = vector.broadcast %sign3A_70 : i32 to vector<16xi32>
    %sign3A_72 = arith.cmpi slt, %iota3A, %sign3A_71 : vector<16xi32>
    %sign3A_73 = arith.extui %sign3A_72 : vector<16xi1> to vector<16xi32>
    %sign3A_74 = arith.subi %sign3A_69, %sign3A_73 : vector<16xi32>
    %sign3A_75 = arith.constant 0 : i32
    %sign3A_76 = arith.cmpi sgt, %jit3A_63, %sign3A_75 : i32
    %sign3A_77 = arith.extui %sign3A_76 : i1 to i32
    %sign3A_78 = arith.constant 0 : i32
    %sign3A_79 = arith.cmpi slt, %jit3A_63, %sign3A_78 : i32
    %sign3A_80 = arith.extui %sign3A_79 : i1 to i32
    %sign3A_81 = arith.subi %sign3A_77, %sign3A_80 : i32
    %ne3A_82 = vector.broadcast %sign3A_81 : i32 to vector<16xi32>
    %ne3A_83 = arith.cmpi ne, %sign3A_74, %ne3A_82 : vector<16xi32>
    %rem3A_84 = vector.broadcast %jit3A_63 : i32 to vector<16xi32>
    %rem3A_85 = arith.remsi %iota3A, %rem3A_84 : vector<16xi32>
    %ne3A_86 = arith.constant 0 : i32
    %ne3A_87 = vector.broadcast %ne3A_86 : i32 to vector<16xi32>
    %ne3A_88 = arith.cmpi ne, %rem3A_85, %ne3A_87 : vector<16xi32>
    %and3A_89 = arith.andi %ne3A_83, %ne3A_88 : vector<16xi1>
    %sub3A_90 = arith.constant 1 : i32
    %sub3A_91 = vector.broadcast %sub3A_90 : i32 to vector<16xi32>
    %sub3A_92 = arith.subi %div3A_65, %sub3A_91 : vector<16xi32>
    %select_n3A_93 = arith.select %and3A_89, %sub3A_92, %div3A_65 : vector<16xi1>, vector<16xi32>
    %add3A_94 = arith.constant 4 : i32
    %add3A_95 = vector.broadcast %add3A_94 : i32 to vector<16xi32>
    %add3A_96 = arith.addi %select_n3A_93, %add3A_95 : vector<16xi32>
    %jit3A_97 = arith.constant 8 : i32
    %div3A_98 = vector.broadcast %jit3A_97 : i32 to vector<16xi32>
    %div3A_99 = arith.divsi %iota3A, %div3A_98 : vector<16xi32>
    %sign3A_100 = arith.constant 0 : i32
    %sign3A_101 = vector.broadcast %sign3A_100 : i32 to vector<16xi32>
    %sign3A_102 = arith.cmpi sgt, %iota3A, %sign3A_101 : vector<16xi32>
    %sign3A_103 = arith.extui %sign3A_102 : vector<16xi1> to vector<16xi32>
    %sign3A_104 = arith.constant 0 : i32
    %sign3A_105 = vector.broadcast %sign3A_104 : i32 to vector<16xi32>
    %sign3A_106 = arith.cmpi slt, %iota3A, %sign3A_105 : vector<16xi32>
    %sign3A_107 = arith.extui %sign3A_106 : vector<16xi1> to vector<16xi32>
    %sign3A_108 = arith.subi %sign3A_103, %sign3A_107 : vector<16xi32>
    %sign3A_109 = arith.constant 0 : i32
    %sign3A_110 = arith.cmpi sgt, %jit3A_97, %sign3A_109 : i32
    %sign3A_111 = arith.extui %sign3A_110 : i1 to i32
    %sign3A_112 = arith.constant 0 : i32
    %sign3A_113 = arith.cmpi slt, %jit3A_97, %sign3A_112 : i32
    %sign3A_114 = arith.extui %sign3A_113 : i1 to i32
    %sign3A_115 = arith.subi %sign3A_111, %sign3A_114 : i32
    %ne3A_116 = vector.broadcast %sign3A_115 : i32 to vector<16xi32>
    %ne3A_117 = arith.cmpi ne, %sign3A_108, %ne3A_116 : vector<16xi32>
    %rem3A_118 = vector.broadcast %jit3A_97 : i32 to vector<16xi32>
    %rem3A_119 = arith.remsi %iota3A, %rem3A_118 : vector<16xi32>
    %ne3A_120 = arith.constant 0 : i32
    %ne3A_121 = vector.broadcast %ne3A_120 : i32 to vector<16xi32>
    %ne3A_122 = arith.cmpi ne, %rem3A_119, %ne3A_121 : vector<16xi32>
    %and3A_123 = arith.andi %ne3A_117, %ne3A_122 : vector<16xi1>
    %sub3A_124 = arith.constant 1 : i32
    %sub3A_125 = vector.broadcast %sub3A_124 : i32 to vector<16xi32>
    %sub3A_126 = arith.subi %div3A_99, %sub3A_125 : vector<16xi32>
    %select_n3A_127 = arith.select %and3A_123, %sub3A_126, %div3A_99 : vector<16xi1>, vector<16xi32>
    %add3A_128 = arith.constant 6 : i32
    %add3A_129 = vector.broadcast %add3A_128 : i32 to vector<16xi32>
    %add3A_130 = arith.addi %select_n3A_127, %add3A_129 : vector<16xi32>
    %jit3A_131 = arith.constant 8 : i32
    %eq3A = arith.constant 0 : i32
    %eq3A_132 = arith.cmpi eq, %jit3A_131, %eq3A : i32
    %jit3A_133 = arith.constant 1 : i32
    %select_n3A_134 = arith.select %eq3A_132, %jit3A_133, %jit3A_131 : i32
    %rem3A_135 = vector.broadcast %select_n3A_134 : i32 to vector<16xi32>
    %rem3A_136 = arith.remsi %iota3A, %rem3A_135 : vector<16xi32>
    %ne3A_137 = arith.constant 0 : i32
    %ne3A_138 = vector.broadcast %ne3A_137 : i32 to vector<16xi32>
    %ne3A_139 = arith.cmpi ne, %rem3A_136, %ne3A_138 : vector<16xi32>
    %lt3A = arith.constant 0 : i32
    %lt3A_140 = vector.broadcast %lt3A : i32 to vector<16xi32>
    %lt3A_141 = arith.cmpi slt, %rem3A_136, %lt3A_140 : vector<16xi32>
    %lt3A_142 = arith.constant 0 : i32
    %lt3A_143 = arith.cmpi slt, %select_n3A_134, %lt3A_142 : i32
    %ne3A_144 = vector.broadcast %lt3A_143 : i1 to vector<16xi1>
    %ne3A_145 = vector.broadcast %ne3A_144 : vector<16xi1> to vector<16xi1>
    %ne3A_146 = arith.xori %lt3A_141, %ne3A_145 : vector<16xi1>
    %and3A_147 = arith.andi %ne3A_146, %ne3A_139 : vector<16xi1>
    %add3A_148 = vector.broadcast %select_n3A_134 : i32 to vector<16xi32>
    %add3A_149 = arith.addi %rem3A_136, %add3A_148 : vector<16xi32>
    %select_n3A_150 = arith.select %and3A_147, %add3A_149, %rem3A_136 : vector<16xi1>, vector<16xi32>
    %dma_start3A = arith.constant 0 : i32
    %dma_start3A_151 = arith.constant 0 : i32
    %dma_start3A_152 = tpu.memref_slice %arg6[%dma_start3A, %dma_start3A_151] : memref<50x128xi32, #tpu.memory_space<vmem>> -> memref<1x128xi32, #tpu.memory_space<vmem>>
    %dma_start3A_153 = tpu.memref_squeeze %dma_start3A_152 : memref<1x128xi32, #tpu.memory_space<vmem>> -> memref<128xi32, #tpu.memory_space<vmem>>
    %dma_start3A_154 = arith.constant 0 : i32
    %dma_start3A_155 = arith.constant 0 : i32
    %dma_start3A_156 = tpu.memref_slice %arg4[%dma_start3A_154, %dma_start3A_155] : memref<1000000x64xf32, #tpu.memory_space<hbm>> -> memref<1000000x64xf32, #tpu.memory_space<hbm>>
    tpu.enqueue_indirect_dma source(%dma_start3A_156 : memref<1000000x64xf32, #tpu.memory_space<hbm>>) target(%arg8 : memref<128x64xf32, #tpu.memory_space<vmem>>) offsets(%dma_start3A_153 : memref<128xi32, #tpu.memory_space<vmem>>) semaphore(%arg12 : memref<!tpu.dma_semaphore, #tpu.memory_space<semaphore_mem>>)
    %scan3A = arith.constant 0 : i32
    %scan3A_157 = arith.constant 0 : i32
    %scan3A_158 = arith.constant 25 : i32
    %scan3A_159 = arith.addi %scan3A_157, %scan3A_158 : i32
    %scan3A_160 = arith.constant 1 : i32
    scf.for %scan3A_199 = %scan3A_157 to %scan3A_159 step %scan3A_160  : i32 {
      %mul3A_200 = arith.constant 2 : i32
      %mul3A_201 = arith.muli %mul3A_200, %scan3A_199 : i32
      %mul3A_202 = arith.constant 2 : i32
      %mul3A_203 = arith.muli %mul3A_202, %scan3A_199 : i32
      %add3A_204 = arith.constant 1 : i32
      %add3A_205 = arith.addi %mul3A_203, %add3A_204 : i32
      %gt3A = arith.constant 0 : i32
      %gt3A_206 = arith.cmpi sgt, %scan3A_199, %gt3A : i32
      %convert_element_type3A = arith.extui %gt3A_206 : i1 to i32
      %cond3A = arith.constant 0 : i32
      %cond3A_207 = arith.cmpi ne, %convert_element_type3A, %cond3A : i32
      scf.if %cond3A_207 {
        %dma_wait3A_306 = arith.constant 0 : i32
        %dma_wait3A_307 = arith.constant 0 : i32
        %dma_wait3A_308 = arith.constant 0 : i32
        %dma_wait3A_309 = arith.constant 0 : i32
        %dma_wait3A_310 = tpu.memref_slice %arg11[%dma_wait3A_307, %dma_wait3A_308, %dma_wait3A_309] : memref<8x8x129xf32, #tpu.memory_space<vmem>> -> memref<8x8x128xf32, #tpu.memory_space<vmem>>
        %dma_wait3A_311 = arith.constant 0 : i32
        %dma_wait3A_312 = arith.constant 0 : i32
        %dma_wait3A_313 = arith.constant 0 : i32
        %dma_wait3A_314 = tpu.memref_slice %arg5[%dma_wait3A_306, %dma_wait3A_311, %add3A, %dma_wait3A_312, %dma_wait3A_313] : memref<50x8x32x8x128xf32, #tpu.memory_space<hbm>> -> memref<1x8x1x8x128xf32, #tpu.memory_space<hbm>>
        %dma_wait3A_315 = tpu.memref_squeeze %dma_wait3A_314 : memref<1x8x1x8x128xf32, #tpu.memory_space<hbm>> -> memref<8x8x128xf32, #tpu.memory_space<hbm>>
        %dma_wait3A_316 = arith.constant 0 : i32
        %dma_wait3A_317 = arith.constant 0 : i32
        %dma_wait3A_318 = arith.constant 0 : i32
        %dma_wait3A_319 = tpu.memref_slice %arg5[%dma_wait3A_306, %dma_wait3A_316, %add3A, %dma_wait3A_317, %dma_wait3A_318] : memref<50x8x32x8x128xf32, #tpu.memory_space<hbm>> -> memref<1x8x1x8x128xf32, #tpu.memory_space<hbm>>
        %dma_wait3A_320 = tpu.memref_squeeze %dma_wait3A_319 : memref<1x8x1x8x128xf32, #tpu.memory_space<hbm>> -> memref<8x8x128xf32, #tpu.memory_space<hbm>>
        %dma_wait3A_321 = arith.constant 0 : i32
        %dma_wait3A_322 = arith.constant 0 : i32
        %dma_wait3A_323 = arith.constant 0 : i32
        %dma_wait3A_324 = tpu.memref_slice %arg11[%dma_wait3A_321, %dma_wait3A_322, %dma_wait3A_323] : memref<8x8x129xf32, #tpu.memory_space<vmem>> -> memref<8x8x128xf32, #tpu.memory_space<vmem>>
        tpu.wait_dma2 semaphore(%arg15 : memref<!tpu.dma_semaphore, #tpu.memory_space<semaphore_mem>>) src(%dma_wait3A_324 : memref<8x8x128xf32, #tpu.memory_space<vmem>>) dst(%dma_wait3A_320 : memref<8x8x128xf32, #tpu.memory_space<hbm>>)
      } else {
      }
      %dma_start3A_208 = arith.constant 0 : i32
      %dma_start3A_209 = tpu.memref_slice %arg6[%add3A_205, %dma_start3A_208] : memref<50x128xi32, #tpu.memory_space<vmem>> -> memref<1x128xi32, #tpu.memory_space<vmem>>
      %dma_start3A_210 = tpu.memref_squeeze %dma_start3A_209 : memref<1x128xi32, #tpu.memory_space<vmem>> -> memref<128xi32, #tpu.memory_space<vmem>>
      %dma_start3A_211 = arith.constant 0 : i32
      %dma_start3A_212 = arith.constant 0 : i32
      %dma_start3A_213 = tpu.memref_slice %arg4[%dma_start3A_211, %dma_start3A_212] : memref<1000000x64xf32, #tpu.memory_space<hbm>> -> memref<1000000x64xf32, #tpu.memory_space<hbm>>
      tpu.enqueue_indirect_dma source(%dma_start3A_213 : memref<1000000x64xf32, #tpu.memory_space<hbm>>) target(%arg9 : memref<128x64xf32, #tpu.memory_space<vmem>>) offsets(%dma_start3A_210 : memref<128xi32, #tpu.memory_space<vmem>>) semaphore(%arg13 : memref<!tpu.dma_semaphore, #tpu.memory_space<semaphore_mem>>)
      %dma_wait3A_214 = arith.constant 0 : i32
      %dma_wait3A_215 = arith.constant 0 : i32
      %dma_wait3A_216 = tpu.memref_slice %arg6[%dma_wait3A_214, %dma_wait3A_215] : memref<50x128xi32, #tpu.memory_space<vmem>> -> memref<1x128xi32, #tpu.memory_space<vmem>>
      %dma_wait3A_217 = tpu.memref_squeeze %dma_wait3A_216 : memref<1x128xi32, #tpu.memory_space<vmem>> -> memref<128xi32, #tpu.memory_space<vmem>>
      %dma_wait3A_218 = arith.constant 0 : i32
      %dma_wait3A_219 = arith.constant 0 : i32
      %dma_wait3A_220 = tpu.memref_slice %arg4[%dma_wait3A_218, %dma_wait3A_219] : memref<1000000x64xf32, #tpu.memory_space<hbm>> -> memref<1000000x64xf32, #tpu.memory_space<hbm>>
      tpu.wait_indirect_dma semaphore(%arg12 : memref<!tpu.dma_semaphore, #tpu.memory_space<semaphore_mem>>) src(%dma_wait3A_220 : memref<1000000x64xf32, #tpu.memory_space<hbm>>) dst(%arg8 : memref<128x64xf32, #tpu.memory_space<vmem>>)
      %get3A = arith.index_cast %mul3A_201 : i32 to index
      %get3A_221 = arith.constant 0 : index
      %get3A_222 = tpu.vector_load %arg7[%get3A, %get3A_221] {strides = array<i32>} : memref<50x64xf32, #tpu.memory_space<vmem>>, vector<16xf32>,
      %get3A_223 = arith.index_cast %mul3A_201 : i32 to index
      %get3A_224 = arith.constant 16 : index
      %get3A_225 = tpu.vector_load %arg7[%get3A_223, %get3A_224] {strides = array<i32>} : memref<50x64xf32, #tpu.memory_space<vmem>>, vector<16xf32>,
      %get3A_226 = arith.index_cast %mul3A_201 : i32 to index
      %get3A_227 = arith.constant 32 : index
      %get3A_228 = tpu.vector_load %arg7[%get3A_226, %get3A_227] {strides = array<i32>} : memref<50x64xf32, #tpu.memory_space<vmem>>, vector<16xf32>,
      %get3A_229 = arith.index_cast %mul3A_201 : i32 to index
      %get3A_230 = arith.constant 48 : index
      %get3A_231 = tpu.vector_load %arg7[%get3A_229, %get3A_230] {strides = array<i32>} : memref<50x64xf32, #tpu.memory_space<vmem>>, vector<16xf32>,
      %scan3A_232 = arith.constant 0 : i32
      %scan3A_233 = arith.constant 0 : i32
      %scan3A_234 = arith.constant 128 : i32
      %scan3A_235 = arith.addi %scan3A_233, %scan3A_234 : i32
      %scan3A_236 = arith.constant 4 : i32
      scf.for %scan3A_306 = %scan3A_233 to %scan3A_235 step %scan3A_236  : i32 {
        %broadcast_in_dim3A = arith.constant 0 : i32
        %broadcast_in_dim3A_307 = vector.broadcast %broadcast_in_dim3A : i32 to vector<16xi32>
        %add3A_308 = vector.broadcast %scan3A_306 : i32 to vector<16xi32>
        %add3A_309 = arith.addi %broadcast_in_dim3A_307, %add3A_308 : vector<16xi32>
        %get3A_310 = arith.index_cast %scan3A_306 : i32 to index
        %get3A_311 = arith.constant 0 : index
        %get3A_312 = tpu.vector_load %arg8[%get3A_310, %get3A_311] {strides = array<i32>} : memref<128x64xf32, #tpu.memory_space<vmem>>, vector<16xf32>,
        %mul3A_313 = arith.constant 8.000000e+00 : f32
        %mul3A_314 = vector.broadcast %mul3A_313 : f32 to vector<16xf32>
        %mul3A_315 = arith.mulf %get3A_312, %mul3A_314 : vector<16xf32>
        %add3A_316 = arith.addf %mul3A_315, %get3A_222 : vector<16xf32>
        tpu.vector_store_idx %arg10[%add3A_28, %select_n3A_150, %add3A_309], %add3A_316 : memref<8x8x129xf32, #tpu.memory_space<vmem>>[vector<16xi32>, vector<16xi32>, vector<16xi32>], vector<16xf32>,
        %get3A_317 = arith.index_cast %scan3A_306 : i32 to index
        %get3A_318 = arith.constant 16 : index
        %get3A_319 = tpu.vector_load %arg8[%get3A_317, %get3A_318] {strides = array<i32>} : memref<128x64xf32, #tpu.memory_space<vmem>>, vector<16xf32>,
        %mul3A_320 = arith.constant 8.000000e+00 : f32
        %mul3A_321 = vector.broadcast %mul3A_320 : f32 to vector<16xf32>
        %mul3A_322 = arith.mulf %get3A_319, %mul3A_321 : vector<16xf32>
        %add3A_323 = arith.addf %mul3A_322, %get3A_225 : vector<16xf32>
        tpu.vector_store_idx %arg10[%add3A_62, %select_n3A_150, %add3A_309], %add3A_323 : memref<8x8x129xf32, #tpu.memory_space<vmem>>[vector<16xi32>, vector<16xi32>, vector<16xi32>], vector<16xf32>,
        %get3A_324 = arith.index_cast %scan3A_306 : i32 to index
        %get3A_325 = arith.constant 32 : index
        %get3A_326 = tpu.vector_load %arg8[%get3A_324, %get3A_325] {strides = array<i32>} : memref<128x64xf32, #tpu.memory_space<vmem>>, vector<16xf32>,
        %mul3A_327 = arith.constant 8.000000e+00 : f32
        %mul3A_328 = vector.broadcast %mul3A_327 : f32 to vector<16xf32>
        %mul3A_329 = arith.mulf %get3A_326, %mul3A_328 : vector<16xf32>
        %add3A_330 = arith.addf %mul3A_329, %get3A_228 : vector<16xf32>
        tpu.vector_store_idx %arg10[%add3A_96, %select_n3A_150, %add3A_309], %add3A_330 : memref<8x8x129xf32, #tpu.memory_space<vmem>>[vector<16xi32>, vector<16xi32>, vector<16xi32>], vector<16xf32>,
        %get3A_331 = arith.index_cast %scan3A_306 : i32 to index
        %get3A_332 = arith.constant 48 : index
        %get3A_333 = tpu.vector_load %arg8[%get3A_331, %get3A_332] {strides = array<i32>} : memref<128x64xf32, #tpu.memory_space<vmem>>, vector<16xf32>,
        %mul3A_334 = arith.constant 8.000000e+00 : f32
        %mul3A_335 = vector.broadcast %mul3A_334 : f32 to vector<16xf32>
        %mul3A_336 = arith.mulf %get3A_333, %mul3A_335 : vector<16xf32>
        %add3A_337 = arith.addf %mul3A_336, %get3A_231 : vector<16xf32>
        tpu.vector_store_idx %arg10[%add3A_130, %select_n3A_150, %add3A_309], %add3A_337 : memref<8x8x129xf32, #tpu.memory_space<vmem>>[vector<16xi32>, vector<16xi32>, vector<16xi32>], vector<16xf32>,
        %scan3A_338 = arith.constant 1 : i32
        %scan3A_339 = arith.addi %scan3A_306, %scan3A_338 : i32
        %broadcast_in_dim3A_340 = arith.constant 0 : i32
        %broadcast_in_dim3A_341 = vector.broadcast %broadcast_in_dim3A_340 : i32 to vector<16xi32>
        %add3A_342 = vector.broadcast %scan3A_339 : i32 to vector<16xi32>
        %add3A_343 = arith.addi %broadcast_in_dim3A_341, %add3A_342 : vector<16xi32>
        %get3A_344 = arith.index_cast %scan3A_339 : i32 to index
        %get3A_345 = arith.constant 0 : index
        %get3A_346 = tpu.vector_load %arg8[%get3A_344, %get3A_345] {strides = array<i32>} : memref<128x64xf32, #tpu.memory_space<vmem>>, vector<16xf32>,
        %mul3A_347 = arith.constant 8.000000e+00 : f32
        %mul3A_348 = vector.broadcast %mul3A_347 : f32 to vector<16xf32>
        %mul3A_349 = arith.mulf %get3A_346, %mul3A_348 : vector<16xf32>
        %add3A_350 = arith.addf %mul3A_349, %get3A_222 : vector<16xf32>
        tpu.vector_store_idx %arg10[%add3A_28, %select_n3A_150, %add3A_343], %add3A_350 : memref<8x8x129xf32, #tpu.memory_space<vmem>>[vector<16xi32>, vector<16xi32>, vector<16xi32>], vector<16xf32>,
        %get3A_351 = arith.index_cast %scan3A_339 : i32 to index
        %get3A_352 = arith.constant 16 : index
        %get3A_353 = tpu.vector_load %arg8[%get3A_351, %get3A_352] {strides = array<i32>} : memref<128x64xf32, #tpu.memory_space<vmem>>, vector<16xf32>,
        %mul3A_354 = arith.constant 8.000000e+00 : f32
        %mul3A_355 = vector.broadcast %mul3A_354 : f32 to vector<16xf32>
        %mul3A_356 = arith.mulf %get3A_353, %mul3A_355 : vector<16xf32>
        %add3A_357 = arith.addf %mul3A_356, %get3A_225 : vector<16xf32>
        tpu.vector_store_idx %arg10[%add3A_62, %select_n3A_150, %add3A_343], %add3A_357 : memref<8x8x129xf32, #tpu.memory_space<vmem>>[vector<16xi32>, vector<16xi32>, vector<16xi32>], vector<16xf32>,
        %get3A_358 = arith.index_cast %scan3A_339 : i32 to index
        %get3A_359 = arith.constant 32 : index
        %get3A_360 = tpu.vector_load %arg8[%get3A_358, %get3A_359] {strides = array<i32>} : memref<128x64xf32, #tpu.memory_space<vmem>>, vector<16xf32>,
        %mul3A_361 = arith.constant 8.000000e+00 : f32
        %mul3A_362 = vector.broadcast %mul3A_361 : f32 to vector<16xf32>
        %mul3A_363 = arith.mulf %get3A_360, %mul3A_362 : vector<16xf32>
        %add3A_364 = arith.addf %mul3A_363, %get3A_228 : vector<16xf32>
        tpu.vector_store_idx %arg10[%add3A_96, %select_n3A_150, %add3A_343], %add3A_364 : memref<8x8x129xf32, #tpu.memory_space<vmem>>[vector<16xi32>, vector<16xi32>, vector<16xi32>], vector<16xf32>,
        %get3A_365 = arith.index_cast %scan3A_339 : i32 to index
        %get3A_366 = arith.constant 48 : index
        %get3A_367 = tpu.vector_load %arg8[%get3A_365, %get3A_366] {strides = array<i32>} : memref<128x64xf32, #tpu.memory_space<vmem>>, vector<16xf32>,
        %mul3A_368 = arith.constant 8.000000e+00 : f32
        %mul3A_369 = vector.broadcast %mul3A_368 : f32 to vector<16xf32>
        %mul3A_370 = arith.mulf %get3A_367, %mul3A_369 : vector<16xf32>
        %add3A_371 = arith.addf %mul3A_370, %get3A_231 : vector<16xf32>
        tpu.vector_store_idx %arg10[%add3A_130, %select_n3A_150, %add3A_343], %add3A_371 : memref<8x8x129xf32, #tpu.memory_space<vmem>>[vector<16xi32>, vector<16xi32>, vector<16xi32>], vector<16xf32>,
        %scan3A_372 = arith.constant 2 : i32
        %scan3A_373 = arith.addi %scan3A_306, %scan3A_372 : i32
        %broadcast_in_dim3A_374 = arith.constant 0 : i32
        %broadcast_in_dim3A_375 = vector.broadcast %broadcast_in_dim3A_374 : i32 to vector<16xi32>
        %add3A_376 = vector.broadcast %scan3A_373 : i32 to vector<16xi32>
        %add3A_377 = arith.addi %broadcast_in_dim3A_375, %add3A_376 : vector<16xi32>
        %get3A_378 = arith.index_cast %scan3A_373 : i32 to index
        %get3A_379 = arith.constant 0 : index
        %get3A_380 = tpu.vector_load %arg8[%get3A_378, %get3A_379] {strides = array<i32>} : memref<128x64xf32, #tpu.memory_space<vmem>>, vector<16xf32>,
        %mul3A_381 = arith.constant 8.000000e+00 : f32
        %mul3A_382 = vector.broadcast %mul3A_381 : f32 to vector<16xf32>
        %mul3A_383 = arith.mulf %get3A_380, %mul3A_382 : vector<16xf32>
        %add3A_384 = arith.addf %mul3A_383, %get3A_222 : vector<16xf32>
        tpu.vector_store_idx %arg10[%add3A_28, %select_n3A_150, %add3A_377], %add3A_384 : memref<8x8x129xf32, #tpu.memory_space<vmem>>[vector<16xi32>, vector<16xi32>, vector<16xi32>], vector<16xf32>,
        %get3A_385 = arith.index_cast %scan3A_373 : i32 to index
        %get3A_386 = arith.constant 16 : index
        %get3A_387 = tpu.vector_load %arg8[%get3A_385, %get3A_386] {strides = array<i32>} : memref<128x64xf32, #tpu.memory_space<vmem>>, vector<16xf32>,
        %mul3A_388 = arith.constant 8.000000e+00 : f32
        %mul3A_389 = vector.broadcast %mul3A_388 : f32 to vector<16xf32>
        %mul3A_390 = arith.mulf %get3A_387, %mul3A_389 : vector<16xf32>
        %add3A_391 = arith.addf %mul3A_390, %get3A_225 : vector<16xf32>
        tpu.vector_store_idx %arg10[%add3A_62, %select_n3A_150, %add3A_377], %add3A_391 : memref<8x8x129xf32, #tpu.memory_space<vmem>>[vector<16xi32>, vector<16xi32>, vector<16xi32>], vector<16xf32>,
        %get3A_392 = arith.index_cast %scan3A_373 : i32 to index
        %get3A_393 = arith.constant 32 : index
        %get3A_394 = tpu.vector_load %arg8[%get3A_392, %get3A_393] {strides = array<i32>} : memref<128x64xf32, #tpu.memory_space<vmem>>, vector<16xf32>,
        %mul3A_395 = arith.constant 8.000000e+00 : f32
        %mul3A_396 = vector.broadcast %mul3A_395 : f32 to vector<16xf32>
        %mul3A_397 = arith.mulf %get3A_394, %mul3A_396 : vector<16xf32>
        %add3A_398 = arith.addf %mul3A_397, %get3A_228 : vector<16xf32>
        tpu.vector_store_idx %arg10[%add3A_96, %select_n3A_150, %add3A_377], %add3A_398 : memref<8x8x129xf32, #tpu.memory_space<vmem>>[vector<16xi32>, vector<16xi32>, vector<16xi32>], vector<16xf32>,
        %get3A_399 = arith.index_cast %scan3A_373 : i32 to index
        %get3A_400 = arith.constant 48 : index
        %get3A_401 = tpu.vector_load %arg8[%get3A_399, %get3A_400] {strides = array<i32>} : memref<128x64xf32, #tpu.memory_space<vmem>>, vector<16xf32>,
        %mul3A_402 = arith.constant 8.000000e+00 : f32
        %mul3A_403 = vector.broadcast %mul3A_402 : f32 to vector<16xf32>
        %mul3A_404 = arith.mulf %get3A_401, %mul3A_403 : vector<16xf32>
        %add3A_405 = arith.addf %mul3A_404, %get3A_231 : vector<16xf32>
        tpu.vector_store_idx %arg10[%add3A_130, %select_n3A_150, %add3A_377], %add3A_405 : memref<8x8x129xf32, #tpu.memory_space<vmem>>[vector<16xi32>, vector<16xi32>, vector<16xi32>], vector<16xf32>,
        %scan3A_406 = arith.constant 3 : i32
        %scan3A_407 = arith.addi %scan3A_306, %scan3A_406 : i32
        %broadcast_in_dim3A_408 = arith.constant 0 : i32
        %broadcast_in_dim3A_409 = vector.broadcast %broadcast_in_dim3A_408 : i32 to vector<16xi32>
        %add3A_410 = vector.broadcast %scan3A_407 : i32 to vector<16xi32>
        %add3A_411 = arith.addi %broadcast_in_dim3A_409, %add3A_410 : vector<16xi32>
        %get3A_412 = arith.index_cast %scan3A_407 : i32 to index
        %get3A_413 = arith.constant 0 : index
        %get3A_414 = tpu.vector_load %arg8[%get3A_412, %get3A_413] {strides = array<i32>} : memref<128x64xf32, #tpu.memory_space<vmem>>, vector<16xf32>,
        %mul3A_415 = arith.constant 8.000000e+00 : f32
        %mul3A_416 = vector.broadcast %mul3A_415 : f32 to vector<16xf32>
        %mul3A_417 = arith.mulf %get3A_414, %mul3A_416 : vector<16xf32>
        %add3A_418 = arith.addf %mul3A_417, %get3A_222 : vector<16xf32>
        tpu.vector_store_idx %arg10[%add3A_28, %select_n3A_150, %add3A_411], %add3A_418 : memref<8x8x129xf32, #tpu.memory_space<vmem>>[vector<16xi32>, vector<16xi32>, vector<16xi32>], vector<16xf32>,
        %get3A_419 = arith.index_cast %scan3A_407 : i32 to index
        %get3A_420 = arith.constant 16 : index
        %get3A_421 = tpu.vector_load %arg8[%get3A_419, %get3A_420] {strides = array<i32>} : memref<128x64xf32, #tpu.memory_space<vmem>>, vector<16xf32>,
        %mul3A_422 = arith.constant 8.000000e+00 : f32
        %mul3A_423 = vector.broadcast %mul3A_422 : f32 to vector<16xf32>
        %mul3A_424 = arith.mulf %get3A_421, %mul3A_423 : vector<16xf32>
        %add3A_425 = arith.addf %mul3A_424, %get3A_225 : vector<16xf32>
        tpu.vector_store_idx %arg10[%add3A_62, %select_n3A_150, %add3A_411], %add3A_425 : memref<8x8x129xf32, #tpu.memory_space<vmem>>[vector<16xi32>, vector<16xi32>, vector<16xi32>], vector<16xf32>,
        %get3A_426 = arith.index_cast %scan3A_407 : i32 to index
        %get3A_427 = arith.constant 32 : index
        %get3A_428 = tpu.vector_load %arg8[%get3A_426, %get3A_427] {strides = array<i32>} : memref<128x64xf32, #tpu.memory_space<vmem>>, vector<16xf32>,
        %mul3A_429 = arith.constant 8.000000e+00 : f32
        %mul3A_430 = vector.broadcast %mul3A_429 : f32 to vector<16xf32>
        %mul3A_431 = arith.mulf %get3A_428, %mul3A_430 : vector<16xf32>
        %add3A_432 = arith.addf %mul3A_431, %get3A_228 : vector<16xf32>
        tpu.vector_store_idx %arg10[%add3A_96, %select_n3A_150, %add3A_411], %add3A_432 : memref<8x8x129xf32, #tpu.memory_space<vmem>>[vector<16xi32>, vector<16xi32>, vector<16xi32>], vector<16xf32>,
        %get3A_433 = arith.index_cast %scan3A_407 : i32 to index
        %get3A_434 = arith.constant 48 : index
        %get3A_435 = tpu.vector_load %arg8[%get3A_433, %get3A_434] {strides = array<i32>} : memref<128x64xf32, #tpu.memory_space<vmem>>, vector<16xf32>,
        %mul3A_436 = arith.constant 8.000000e+00 : f32
        %mul3A_437 = vector.broadcast %mul3A_436 : f32 to vector<16xf32>
        %mul3A_438 = arith.mulf %get3A_435, %mul3A_437 : vector<16xf32>
        %add3A_439 = arith.addf %mul3A_438, %get3A_231 : vector<16xf32>
        tpu.vector_store_idx %arg10[%add3A_130, %select_n3A_150, %add3A_411], %add3A_439 : memref<8x8x129xf32, #tpu.memory_space<vmem>>[vector<16xi32>, vector<16xi32>, vector<16xi32>], vector<16xf32>,
      }
      %scan3A_237 = arith.constant 128 : i32
      %dma_start3A_238 = arith.constant 0 : i32
      %dma_start3A_239 = arith.constant 0 : i32
      %dma_start3A_240 = arith.constant 0 : i32
      %dma_start3A_241 = tpu.memref_slice %arg10[%dma_start3A_238, %dma_start3A_239, %dma_start3A_240] : memref<8x8x129xf32, #tpu.memory_space<vmem>> -> memref<8x8x128xf32, #tpu.memory_space<vmem>>
      %dma_start3A_242 = arith.constant 0 : i32
      %dma_start3A_243 = arith.constant 0 : i32
      %dma_start3A_244 = arith.constant 0 : i32
      %dma_start3A_245 = tpu.memref_slice %arg5[%mul3A_201, %dma_start3A_242, %add3A, %dma_start3A_243, %dma_start3A_244] : memref<50x8x32x8x128xf32, #tpu.memory_space<hbm>> -> memref<1x8x1x8x128xf32, #tpu.memory_space<hbm>>
      %dma_start3A_246 = tpu.memref_squeeze %dma_start3A_245 : memref<1x8x1x8x128xf32, #tpu.memory_space<hbm>> -> memref<8x8x128xf32, #tpu.memory_space<hbm>>
      %dma_start3A_247 = arith.constant 0 : i32
      %dma_start3A_248 = arith.constant 0 : i32
      %dma_start3A_249 = arith.constant 0 : i32
      %dma_start3A_250 = tpu.memref_slice %arg5[%mul3A_201, %dma_start3A_247, %add3A, %dma_start3A_248, %dma_start3A_249] : memref<50x8x32x8x128xf32, #tpu.memory_space<hbm>> -> memref<1x8x1x8x128xf32, #tpu.memory_space<hbm>>
      %dma_start3A_251 = tpu.memref_squeeze %dma_start3A_250 : memref<1x8x1x8x128xf32, #tpu.memory_space<hbm>> -> memref<8x8x128xf32, #tpu.memory_space<hbm>>
      %dma_start3A_252 = arith.constant 0 : i32
      %dma_start3A_253 = arith.constant 0 : i32
      %dma_start3A_254 = arith.constant 0 : i32
      %dma_start3A_255 = tpu.memref_slice %arg10[%dma_start3A_252, %dma_start3A_253, %dma_start3A_254] : memref<8x8x129xf32, #tpu.memory_space<vmem>> -> memref<8x8x128xf32, #tpu.memory_space<vmem>>
      tpu.enqueue_dma source(%dma_start3A_255 : memref<8x8x128xf32, #tpu.memory_space<vmem>>) target(%dma_start3A_251 : memref<8x8x128xf32, #tpu.memory_space<hbm>>) target_semaphore(%arg14 : memref<!tpu.dma_semaphore, #tpu.memory_space<semaphore_mem>>)
      %add3A_256 = arith.constant 1 : i32
      %add3A_257 = arith.addi %scan3A_199, %add3A_256 : i32
      %lt3A_258 = arith.constant 25 : i32
      %lt3A_259 = arith.cmpi slt, %add3A_257, %lt3A_258 : i32
      %convert_element_type3A_260 = arith.extui %lt3A_259 : i1 to i32
      %cond3A_261 = arith.constant 0 : i32
      %cond3A_262 = arith.cmpi ne, %convert_element_type3A_260, %cond3A_261 : i32
      scf.if %cond3A_262 {
        %dma_wait3A_306 = arith.constant 0 : i32
        %dma_wait3A_307 = arith.constant 0 : i32
        %dma_wait3A_308 = arith.constant 0 : i32
        %dma_wait3A_309 = arith.constant 0 : i32
        %dma_wait3A_310 = tpu.memref_slice %arg10[%dma_wait3A_307, %dma_wait3A_308, %dma_wait3A_309] : memref<8x8x129xf32, #tpu.memory_space<vmem>> -> memref<8x8x128xf32, #tpu.memory_space<vmem>>
        %dma_wait3A_311 = arith.constant 0 : i32
        %dma_wait3A_312 = arith.constant 0 : i32
        %dma_wait3A_313 = arith.constant 0 : i32
        %dma_wait3A_314 = tpu.memref_slice %arg5[%dma_wait3A_306, %dma_wait3A_311, %add3A, %dma_wait3A_312, %dma_wait3A_313] : memref<50x8x32x8x128xf32, #tpu.memory_space<hbm>> -> memref<1x8x1x8x128xf32, #tpu.memory_space<hbm>>
        %dma_wait3A_315 = tpu.memref_squeeze %dma_wait3A_314 : memref<1x8x1x8x128xf32, #tpu.memory_space<hbm>> -> memref<8x8x128xf32, #tpu.memory_space<hbm>>
        %dma_wait3A_316 = arith.constant 0 : i32
        %dma_wait3A_317 = arith.constant 0 : i32
        %dma_wait3A_318 = arith.constant 0 : i32
        %dma_wait3A_319 = tpu.memref_slice %arg5[%dma_wait3A_306, %dma_wait3A_316, %add3A, %dma_wait3A_317, %dma_wait3A_318] : memref<50x8x32x8x128xf32, #tpu.memory_space<hbm>> -> memref<1x8x1x8x128xf32, #tpu.memory_space<hbm>>
        %dma_wait3A_320 = tpu.memref_squeeze %dma_wait3A_319 : memref<1x8x1x8x128xf32, #tpu.memory_space<hbm>> -> memref<8x8x128xf32, #tpu.memory_space<hbm>>
        %dma_wait3A_321 = arith.constant 0 : i32
        %dma_wait3A_322 = arith.constant 0 : i32
        %dma_wait3A_323 = arith.constant 0 : i32
        %dma_wait3A_324 = tpu.memref_slice %arg10[%dma_wait3A_321, %dma_wait3A_322, %dma_wait3A_323] : memref<8x8x129xf32, #tpu.memory_space<vmem>> -> memref<8x8x128xf32, #tpu.memory_space<vmem>>
        tpu.wait_dma2 semaphore(%arg14 : memref<!tpu.dma_semaphore, #tpu.memory_space<semaphore_mem>>) src(%dma_wait3A_324 : memref<8x8x128xf32, #tpu.memory_space<vmem>>) dst(%dma_wait3A_320 : memref<8x8x128xf32, #tpu.memory_space<hbm>>)
        %add3A_325 = arith.constant 2 : i32
        %add3A_326 = arith.addi %mul3A_201, %add3A_325 : i32
        %dma_start3A_327 = arith.constant 0 : i32
        %dma_start3A_328 = tpu.memref_slice %arg6[%add3A_326, %dma_start3A_327] : memref<50x128xi32, #tpu.memory_space<vmem>> -> memref<1x128xi32, #tpu.memory_space<vmem>>
        %dma_start3A_329 = tpu.memref_squeeze %dma_start3A_328 : memref<1x128xi32, #tpu.memory_space<vmem>> -> memref<128xi32, #tpu.memory_space<vmem>>
        %dma_start3A_330 = arith.constant 0 : i32
        %dma_start3A_331 = arith.constant 0 : i32
        %dma_start3A_332 = tpu.memref_slice %arg4[%dma_start3A_330, %dma_start3A_331] : memref<1000000x64xf32, #tpu.memory_space<hbm>> -> memref<1000000x64xf32, #tpu.memory_space<hbm>>
        tpu.enqueue_indirect_dma source(%dma_start3A_332 : memref<1000000x64xf32, #tpu.memory_space<hbm>>) target(%arg8 : memref<128x64xf32, #tpu.memory_space<vmem>>) offsets(%dma_start3A_329 : memref<128xi32, #tpu.memory_space<vmem>>) semaphore(%arg12 : memref<!tpu.dma_semaphore, #tpu.memory_space<semaphore_mem>>)
      } else {
      }
      %dma_wait3A_263 = arith.constant 0 : i32
      %dma_wait3A_264 = arith.constant 0 : i32
      %dma_wait3A_265 = tpu.memref_slice %arg6[%dma_wait3A_263, %dma_wait3A_264] : memref<50x128xi32, #tpu.memory_space<vmem>> -> memref<1x128xi32, #tpu.memory_space<vmem>>
      %dma_wait3A_266 = tpu.memref_squeeze %dma_wait3A_265 : memref<1x128xi32, #tpu.memory_space<vmem>> -> memref<128xi32, #tpu.memory_space<vmem>>
      %dma_wait3A_267 = arith.constant 0 : i32
      %dma_wait3A_268 = arith.constant 0 : i32
      %dma_wait3A_269 = tpu.memref_slice %arg4[%dma_wait3A_267, %dma_wait3A_268] : memref<1000000x64xf32, #tpu.memory_space<hbm>> -> memref<1000000x64xf32, #tpu.memory_space<hbm>>
      tpu.wait_indirect_dma semaphore(%arg13 : memref<!tpu.dma_semaphore, #tpu.memory_space<semaphore_mem>>) src(%dma_wait3A_269 : memref<1000000x64xf32, #tpu.memory_space<hbm>>) dst(%arg9 : memref<128x64xf32, #tpu.memory_space<vmem>>)
      %get3A_270 = arith.index_cast %add3A_205 : i32 to index
      %get3A_271 = arith.constant 0 : index
      %get3A_272 = tpu.vector_load %arg7[%get3A_270, %get3A_271] {strides = array<i32>} : memref<50x64xf32, #tpu.memory_space<vmem>>, vector<16xf32>,
      %get3A_273 = arith.index_cast %add3A_205 : i32 to index
      %get3A_274 = arith.constant 16 : index
      %get3A_275 = tpu.vector_load %arg7[%get3A_273, %get3A_274] {strides = array<i32>} : memref<50x64xf32, #tpu.memory_space<vmem>>, vector<16xf32>,
      %get3A_276 = arith.index_cast %add3A_205 : i32 to index
      %get3A_277 = arith.constant 32 : index
      %get3A_278 = tpu.vector_load %arg7[%get3A_276, %get3A_277] {strides = array<i32>} : memref<50x64xf32, #tpu.memory_space<vmem>>, vector<16xf32>,
      %get3A_279 = arith.index_cast %add3A_205 : i32 to index
      %get3A_280 = arith.constant 48 : index
      %get3A_281 = tpu.vector_load %arg7[%get3A_279, %get3A_280] {strides = array<i32>} : memref<50x64xf32, #tpu.memory_space<vmem>>, vector<16xf32>,
      %scan3A_282 = arith.constant 0 : i32
      %scan3A_283 = arith.constant 0 : i32
      %scan3A_284 = arith.constant 128 : i32
      %scan3A_285 = arith.addi %scan3A_283, %scan3A_284 : i32
      %scan3A_286 = arith.constant 4 : i32
      scf.for %scan3A_306 = %scan3A_283 to %scan3A_285 step %scan3A_286  : i32 {
        %broadcast_in_dim3A = arith.constant 0 : i32
        %broadcast_in_dim3A_307 = vector.broadcast %broadcast_in_dim3A : i32 to vector<16xi32>
        %add3A_308 = vector.broadcast %scan3A_306 : i32 to vector<16xi32>
        %add3A_309 = arith.addi %broadcast_in_dim3A_307, %add3A_308 : vector<16xi32>
        %get3A_310 = arith.index_cast %scan3A_306 : i32 to index
        %get3A_311 = arith.constant 0 : index
        %get3A_312 = tpu.vector_load %arg9[%get3A_310, %get3A_311] {strides = array<i32>} : memref<128x64xf32, #tpu.memory_space<vmem>>, vector<16xf32>,
        %mul3A_313 = arith.constant 8.000000e+00 : f32
        %mul3A_314 = vector.broadcast %mul3A_313 : f32 to vector<16xf32>
        %mul3A_315 = arith.mulf %get3A_312, %mul3A_314 : vector<16xf32>
        %add3A_316 = arith.addf %mul3A_315, %get3A_272 : vector<16xf32>
        tpu.vector_store_idx %arg11[%add3A_28, %select_n3A_150, %add3A_309], %add3A_316 : memref<8x8x129xf32, #tpu.memory_space<vmem>>[vector<16xi32>, vector<16xi32>, vector<16xi32>], vector<16xf32>,
        %get3A_317 = arith.index_cast %scan3A_306 : i32 to index
        %get3A_318 = arith.constant 16 : index
        %get3A_319 = tpu.vector_load %arg9[%get3A_317, %get3A_318] {strides = array<i32>} : memref<128x64xf32, #tpu.memory_space<vmem>>, vector<16xf32>,
        %mul3A_320 = arith.constant 8.000000e+00 : f32
        %mul3A_321 = vector.broadcast %mul3A_320 : f32 to vector<16xf32>
        %mul3A_322 = arith.mulf %get3A_319, %mul3A_321 : vector<16xf32>
        %add3A_323 = arith.addf %mul3A_322, %get3A_275 : vector<16xf32>
        tpu.vector_store_idx %arg11[%add3A_62, %select_n3A_150, %add3A_309], %add3A_323 : memref<8x8x129xf32, #tpu.memory_space<vmem>>[vector<16xi32>, vector<16xi32>, vector<16xi32>], vector<16xf32>,
        %get3A_324 = arith.index_cast %scan3A_306 : i32 to index
        %get3A_325 = arith.constant 32 : index
        %get3A_326 = tpu.vector_load %arg9[%get3A_324, %get3A_325] {strides = array<i32>} : memref<128x64xf32, #tpu.memory_space<vmem>>, vector<16xf32>,
        %mul3A_327 = arith.constant 8.000000e+00 : f32
        %mul3A_328 = vector.broadcast %mul3A_327 : f32 to vector<16xf32>
        %mul3A_329 = arith.mulf %get3A_326, %mul3A_328 : vector<16xf32>
        %add3A_330 = arith.addf %mul3A_329, %get3A_278 : vector<16xf32>
        tpu.vector_store_idx %arg11[%add3A_96, %select_n3A_150, %add3A_309], %add3A_330 : memref<8x8x129xf32, #tpu.memory_space<vmem>>[vector<16xi32>, vector<16xi32>, vector<16xi32>], vector<16xf32>,
        %get3A_331 = arith.index_cast %scan3A_306 : i32 to index
        %get3A_332 = arith.constant 48 : index
        %get3A_333 = tpu.vector_load %arg9[%get3A_331, %get3A_332] {strides = array<i32>} : memref<128x64xf32, #tpu.memory_space<vmem>>, vector<16xf32>,
        %mul3A_334 = arith.constant 8.000000e+00 : f32
        %mul3A_335 = vector.broadcast %mul3A_334 : f32 to vector<16xf32>
        %mul3A_336 = arith.mulf %get3A_333, %mul3A_335 : vector<16xf32>
        %add3A_337 = arith.addf %mul3A_336, %get3A_281 : vector<16xf32>
        tpu.vector_store_idx %arg11[%add3A_130, %select_n3A_150, %add3A_309], %add3A_337 : memref<8x8x129xf32, #tpu.memory_space<vmem>>[vector<16xi32>, vector<16xi32>, vector<16xi32>], vector<16xf32>,
        %scan3A_338 = arith.constant 1 : i32
        %scan3A_339 = arith.addi %scan3A_306, %scan3A_338 : i32
        %broadcast_in_dim3A_340 = arith.constant 0 : i32
        %broadcast_in_dim3A_341 = vector.broadcast %broadcast_in_dim3A_340 : i32 to vector<16xi32>
        %add3A_342 = vector.broadcast %scan3A_339 : i32 to vector<16xi32>
        %add3A_343 = arith.addi %broadcast_in_dim3A_341, %add3A_342 : vector<16xi32>
        %get3A_344 = arith.index_cast %scan3A_339 : i32 to index
        %get3A_345 = arith.constant 0 : index
        %get3A_346 = tpu.vector_load %arg9[%get3A_344, %get3A_345] {strides = array<i32>} : memref<128x64xf32, #tpu.memory_space<vmem>>, vector<16xf32>,
        %mul3A_347 = arith.constant 8.000000e+00 : f32
        %mul3A_348 = vector.broadcast %mul3A_347 : f32 to vector<16xf32>
        %mul3A_349 = arith.mulf %get3A_346, %mul3A_348 : vector<16xf32>
        %add3A_350 = arith.addf %mul3A_349, %get3A_272 : vector<16xf32>
        tpu.vector_store_idx %arg11[%add3A_28, %select_n3A_150, %add3A_343], %add3A_350 : memref<8x8x129xf32, #tpu.memory_space<vmem>>[vector<16xi32>, vector<16xi32>, vector<16xi32>], vector<16xf32>,
        %get3A_351 = arith.index_cast %scan3A_339 : i32 to index
        %get3A_352 = arith.constant 16 : index
        %get3A_353 = tpu.vector_load %arg9[%get3A_351, %get3A_352] {strides = array<i32>} : memref<128x64xf32, #tpu.memory_space<vmem>>, vector<16xf32>,
        %mul3A_354 = arith.constant 8.000000e+00 : f32
        %mul3A_355 = vector.broadcast %mul3A_354 : f32 to vector<16xf32>
        %mul3A_356 = arith.mulf %get3A_353, %mul3A_355 : vector<16xf32>
        %add3A_357 = arith.addf %mul3A_356, %get3A_275 : vector<16xf32>
        tpu.vector_store_idx %arg11[%add3A_62, %select_n3A_150, %add3A_343], %add3A_357 : memref<8x8x129xf32, #tpu.memory_space<vmem>>[vector<16xi32>, vector<16xi32>, vector<16xi32>], vector<16xf32>,
        %get3A_358 = arith.index_cast %scan3A_339 : i32 to index
        %get3A_359 = arith.constant 32 : index
        %get3A_360 = tpu.vector_load %arg9[%get3A_358, %get3A_359] {strides = array<i32>} : memref<128x64xf32, #tpu.memory_space<vmem>>, vector<16xf32>,
        %mul3A_361 = arith.constant 8.000000e+00 : f32
        %mul3A_362 = vector.broadcast %mul3A_361 : f32 to vector<16xf32>
        %mul3A_363 = arith.mulf %get3A_360, %mul3A_362 : vector<16xf32>
        %add3A_364 = arith.addf %mul3A_363, %get3A_278 : vector<16xf32>
        tpu.vector_store_idx %arg11[%add3A_96, %select_n3A_150, %add3A_343], %add3A_364 : memref<8x8x129xf32, #tpu.memory_space<vmem>>[vector<16xi32>, vector<16xi32>, vector<16xi32>], vector<16xf32>,
        %get3A_365 = arith.index_cast %scan3A_339 : i32 to index
        %get3A_366 = arith.constant 48 : index
        %get3A_367 = tpu.vector_load %arg9[%get3A_365, %get3A_366] {strides = array<i32>} : memref<128x64xf32, #tpu.memory_space<vmem>>, vector<16xf32>,
        %mul3A_368 = arith.constant 8.000000e+00 : f32
        %mul3A_369 = vector.broadcast %mul3A_368 : f32 to vector<16xf32>
        %mul3A_370 = arith.mulf %get3A_367, %mul3A_369 : vector<16xf32>
        %add3A_371 = arith.addf %mul3A_370, %get3A_281 : vector<16xf32>
        tpu.vector_store_idx %arg11[%add3A_130, %select_n3A_150, %add3A_343], %add3A_371 : memref<8x8x129xf32, #tpu.memory_space<vmem>>[vector<16xi32>, vector<16xi32>, vector<16xi32>], vector<16xf32>,
        %scan3A_372 = arith.constant 2 : i32
        %scan3A_373 = arith.addi %scan3A_306, %scan3A_372 : i32
        %broadcast_in_dim3A_374 = arith.constant 0 : i32
        %broadcast_in_dim3A_375 = vector.broadcast %broadcast_in_dim3A_374 : i32 to vector<16xi32>
        %add3A_376 = vector.broadcast %scan3A_373 : i32 to vector<16xi32>
        %add3A_377 = arith.addi %broadcast_in_dim3A_375, %add3A_376 : vector<16xi32>
        %get3A_378 = arith.index_cast %scan3A_373 : i32 to index
        %get3A_379 = arith.constant 0 : index
        %get3A_380 = tpu.vector_load %arg9[%get3A_378, %get3A_379] {strides = array<i32>} : memref<128x64xf32, #tpu.memory_space<vmem>>, vector<16xf32>,
        %mul3A_381 = arith.constant 8.000000e+00 : f32
        %mul3A_382 = vector.broadcast %mul3A_381 : f32 to vector<16xf32>
        %mul3A_383 = arith.mulf %get3A_380, %mul3A_382 : vector<16xf32>
        %add3A_384 = arith.addf %mul3A_383, %get3A_272 : vector<16xf32>
        tpu.vector_store_idx %arg11[%add3A_28, %select_n3A_150, %add3A_377], %add3A_384 : memref<8x8x129xf32, #tpu.memory_space<vmem>>[vector<16xi32>, vector<16xi32>, vector<16xi32>], vector<16xf32>,
        %get3A_385 = arith.index_cast %scan3A_373 : i32 to index
        %get3A_386 = arith.constant 16 : index
        %get3A_387 = tpu.vector_load %arg9[%get3A_385, %get3A_386] {strides = array<i32>} : memref<128x64xf32, #tpu.memory_space<vmem>>, vector<16xf32>,
        %mul3A_388 = arith.constant 8.000000e+00 : f32
        %mul3A_389 = vector.broadcast %mul3A_388 : f32 to vector<16xf32>
        %mul3A_390 = arith.mulf %get3A_387, %mul3A_389 : vector<16xf32>
        %add3A_391 = arith.addf %mul3A_390, %get3A_275 : vector<16xf32>
        tpu.vector_store_idx %arg11[%add3A_62, %select_n3A_150, %add3A_377], %add3A_391 : memref<8x8x129xf32, #tpu.memory_space<vmem>>[vector<16xi32>, vector<16xi32>, vector<16xi32>], vector<16xf32>,
        %get3A_392 = arith.index_cast %scan3A_373 : i32 to index
        %get3A_393 = arith.constant 32 : index
        %get3A_394 = tpu.vector_load %arg9[%get3A_392, %get3A_393] {strides = array<i32>} : memref<128x64xf32, #tpu.memory_space<vmem>>, vector<16xf32>,
        %mul3A_395 = arith.constant 8.000000e+00 : f32
        %mul3A_396 = vector.broadcast %mul3A_395 : f32 to vector<16xf32>
        %mul3A_397 = arith.mulf %get3A_394, %mul3A_396 : vector<16xf32>
        %add3A_398 = arith.addf %mul3A_397, %get3A_278 : vector<16xf32>
        tpu.vector_store_idx %arg11[%add3A_96, %select_n3A_150, %add3A_377], %add3A_398 : memref<8x8x129xf32, #tpu.memory_space<vmem>>[vector<16xi32>, vector<16xi32>, vector<16xi32>], vector<16xf32>,
        %get3A_399 = arith.index_cast %scan3A_373 : i32 to index
        %get3A_400 = arith.constant 48 : index
        %get3A_401 = tpu.vector_load %arg9[%get3A_399, %get3A_400] {strides = array<i32>} : memref<128x64xf32, #tpu.memory_space<vmem>>, vector<16xf32>,
        %mul3A_402 = arith.constant 8.000000e+00 : f32
        %mul3A_403 = vector.broadcast %mul3A_402 : f32 to vector<16xf32>
        %mul3A_404 = arith.mulf %get3A_401, %mul3A_403 : vector<16xf32>
        %add3A_405 = arith.addf %mul3A_404, %get3A_281 : vector<16xf32>
        tpu.vector_store_idx %arg11[%add3A_130, %select_n3A_150, %add3A_377], %add3A_405 : memref<8x8x129xf32, #tpu.memory_space<vmem>>[vector<16xi32>, vector<16xi32>, vector<16xi32>], vector<16xf32>,
        %scan3A_406 = arith.constant 3 : i32
        %scan3A_407 = arith.addi %scan3A_306, %scan3A_406 : i32
        %broadcast_in_dim3A_408 = arith.constant 0 : i32
        %broadcast_in_dim3A_409 = vector.broadcast %broadcast_in_dim3A_408 : i32 to vector<16xi32>
        %add3A_410 = vector.broadcast %scan3A_407 : i32 to vector<16xi32>
        %add3A_411 = arith.addi %broadcast_in_dim3A_409, %add3A_410 : vector<16xi32>
        %get3A_412 = arith.index_cast %scan3A_407 : i32 to index
        %get3A_413 = arith.constant 0 : index
        %get3A_414 = tpu.vector_load %arg9[%get3A_412, %get3A_413] {strides = array<i32>} : memref<128x64xf32, #tpu.memory_space<vmem>>, vector<16xf32>,
        %mul3A_415 = arith.constant 8.000000e+00 : f32
        %mul3A_416 = vector.broadcast %mul3A_415 : f32 to vector<16xf32>
        %mul3A_417 = arith.mulf %get3A_414, %mul3A_416 : vector<16xf32>
        %add3A_418 = arith.addf %mul3A_417, %get3A_272 : vector<16xf32>
        tpu.vector_store_idx %arg11[%add3A_28, %select_n3A_150, %add3A_411], %add3A_418 : memref<8x8x129xf32, #tpu.memory_space<vmem>>[vector<16xi32>, vector<16xi32>, vector<16xi32>], vector<16xf32>,
        %get3A_419 = arith.index_cast %scan3A_407 : i32 to index
        %get3A_420 = arith.constant 16 : index
        %get3A_421 = tpu.vector_load %arg9[%get3A_419, %get3A_420] {strides = array<i32>} : memref<128x64xf32, #tpu.memory_space<vmem>>, vector<16xf32>,
        %mul3A_422 = arith.constant 8.000000e+00 : f32
        %mul3A_423 = vector.broadcast %mul3A_422 : f32 to vector<16xf32>
        %mul3A_424 = arith.mulf %get3A_421, %mul3A_423 : vector<16xf32>
        %add3A_425 = arith.addf %mul3A_424, %get3A_275 : vector<16xf32>
        tpu.vector_store_idx %arg11[%add3A_62, %select_n3A_150, %add3A_411], %add3A_425 : memref<8x8x129xf32, #tpu.memory_space<vmem>>[vector<16xi32>, vector<16xi32>, vector<16xi32>], vector<16xf32>,
        %get3A_426 = arith.index_cast %scan3A_407 : i32 to index
        %get3A_427 = arith.constant 32 : index
        %get3A_428 = tpu.vector_load %arg9[%get3A_426, %get3A_427] {strides = array<i32>} : memref<128x64xf32, #tpu.memory_space<vmem>>, vector<16xf32>,
        %mul3A_429 = arith.constant 8.000000e+00 : f32
        %mul3A_430 = vector.broadcast %mul3A_429 : f32 to vector<16xf32>
        %mul3A_431 = arith.mulf %get3A_428, %mul3A_430 : vector<16xf32>
        %add3A_432 = arith.addf %mul3A_431, %get3A_278 : vector<16xf32>
        tpu.vector_store_idx %arg11[%add3A_96, %select_n3A_150, %add3A_411], %add3A_432 : memref<8x8x129xf32, #tpu.memory_space<vmem>>[vector<16xi32>, vector<16xi32>, vector<16xi32>], vector<16xf32>,
        %get3A_433 = arith.index_cast %scan3A_407 : i32 to index
        %get3A_434 = arith.constant 48 : index
        %get3A_435 = tpu.vector_load %arg9[%get3A_433, %get3A_434] {strides = array<i32>} : memref<128x64xf32, #tpu.memory_space<vmem>>, vector<16xf32>,
        %mul3A_436 = arith.constant 8.000000e+00 : f32
        %mul3A_437 = vector.broadcast %mul3A_436 : f32 to vector<16xf32>
        %mul3A_438 = arith.mulf %get3A_435, %mul3A_437 : vector<16xf32>
        %add3A_439 = arith.addf %mul3A_438, %get3A_281 : vector<16xf32>
        tpu.vector_store_idx %arg11[%add3A_130, %select_n3A_150, %add3A_411], %add3A_439 : memref<8x8x129xf32, #tpu.memory_space<vmem>>[vector<16xi32>, vector<16xi32>, vector<16xi32>], vector<16xf32>,
      }
      %scan3A_287 = arith.constant 128 : i32
      %dma_start3A_288 = arith.constant 0 : i32
      %dma_start3A_289 = arith.constant 0 : i32
      %dma_start3A_290 = arith.constant 0 : i32
      %dma_start3A_291 = tpu.memref_slice %arg11[%dma_start3A_288, %dma_start3A_289, %dma_start3A_290] : memref<8x8x129xf32, #tpu.memory_space<vmem>> -> memref<8x8x128xf32, #tpu.memory_space<vmem>>
      %dma_start3A_292 = arith.constant 0 : i32
      %dma_start3A_293 = arith.constant 0 : i32
      %dma_start3A_294 = arith.constant 0 : i32
      %dma_start3A_295 = tpu.memref_slice %arg5[%add3A_205, %dma_start3A_292, %add3A, %dma_start3A_293, %dma_start3A_294] : memref<50x8x32x8x128xf32, #tpu.memory_space<hbm>> -> memref<1x8x1x8x128xf32, #tpu.memory_space<hbm>>
      %dma_start3A_296 = tpu.memref_squeeze %dma_start3A_295 : memref<1x8x1x8x128xf32, #tpu.memory_space<hbm>> -> memref<8x8x128xf32, #tpu.memory_space<hbm>>
      %dma_start3A_297 = arith.constant 0 : i32
      %dma_start3A_298 = arith.constant 0 : i32
      %dma_start3A_299 = arith.constant 0 : i32
      %dma_start3A_300 = tpu.memref_slice %arg5[%add3A_205, %dma_start3A_297, %add3A, %dma_start3A_298, %dma_start3A_299] : memref<50x8x32x8x128xf32, #tpu.memory_space<hbm>> -> memref<1x8x1x8x128xf32, #tpu.memory_space<hbm>>
      %dma_start3A_301 = tpu.memref_squeeze %dma_start3A_300 : memref<1x8x1x8x128xf32, #tpu.memory_space<hbm>> -> memref<8x8x128xf32, #tpu.memory_space<hbm>>
      %dma_start3A_302 = arith.constant 0 : i32
      %dma_start3A_303 = arith.constant 0 : i32
      %dma_start3A_304 = arith.constant 0 : i32
      %dma_start3A_305 = tpu.memref_slice %arg11[%dma_start3A_302, %dma_start3A_303, %dma_start3A_304] : memref<8x8x129xf32, #tpu.memory_space<vmem>> -> memref<8x8x128xf32, #tpu.memory_space<vmem>>
      tpu.enqueue_dma source(%dma_start3A_305 : memref<8x8x128xf32, #tpu.memory_space<vmem>>) target(%dma_start3A_301 : memref<8x8x128xf32, #tpu.memory_space<hbm>>) target_semaphore(%arg15 : memref<!tpu.dma_semaphore, #tpu.memory_space<semaphore_mem>>)
    }
    %scan3A_161 = arith.constant 25 : i32
    %dma_wait3A = arith.constant 0 : i32
    %dma_wait3A_162 = arith.constant 0 : i32
    %dma_wait3A_163 = arith.constant 0 : i32
    %dma_wait3A_164 = arith.constant 0 : i32
    %dma_wait3A_165 = tpu.memref_slice %arg10[%dma_wait3A_162, %dma_wait3A_163, %dma_wait3A_164] : memref<8x8x129xf32, #tpu.memory_space<vmem>> -> memref<8x8x128xf32, #tpu.memory_space<vmem>>
    %dma_wait3A_166 = arith.constant 0 : i32
    %dma_wait3A_167 = arith.constant 0 : i32
    %dma_wait3A_168 = arith.constant 0 : i32
    %dma_wait3A_169 = tpu.memref_slice %arg5[%dma_wait3A, %dma_wait3A_166, %add3A, %dma_wait3A_167, %dma_wait3A_168] : memref<50x8x32x8x128xf32, #tpu.memory_space<hbm>> -> memref<1x8x1x8x128xf32, #tpu.memory_space<hbm>>
    %dma_wait3A_170 = tpu.memref_squeeze %dma_wait3A_169 : memref<1x8x1x8x128xf32, #tpu.memory_space<hbm>> -> memref<8x8x128xf32, #tpu.memory_space<hbm>>
    %dma_wait3A_171 = arith.constant 0 : i32
    %dma_wait3A_172 = arith.constant 0 : i32
    %dma_wait3A_173 = arith.constant 0 : i32
    %dma_wait3A_174 = tpu.memref_slice %arg5[%dma_wait3A, %dma_wait3A_171, %add3A, %dma_wait3A_172, %dma_wait3A_173] : memref<50x8x32x8x128xf32, #tpu.memory_space<hbm>> -> memref<1x8x1x8x128xf32, #tpu.memory_space<hbm>>
    %dma_wait3A_175 = tpu.memref_squeeze %dma_wait3A_174 : memref<1x8x1x8x128xf32, #tpu.memory_space<hbm>> -> memref<8x8x128xf32, #tpu.memory_space<hbm>>
    %dma_wait3A_176 = arith.constant 0 : i32
    %dma_wait3A_177 = arith.constant 0 : i32
    %dma_wait3A_178 = arith.constant 0 : i32
    %dma_wait3A_179 = tpu.memref_slice %arg10[%dma_wait3A_176, %dma_wait3A_177, %dma_wait3A_178] : memref<8x8x129xf32, #tpu.memory_space<vmem>> -> memref<8x8x128xf32, #tpu.memory_space<vmem>>
    tpu.wait_dma2 semaphore(%arg14 : memref<!tpu.dma_semaphore, #tpu.memory_space<semaphore_mem>>) src(%dma_wait3A_179 : memref<8x8x128xf32, #tpu.memory_space<vmem>>) dst(%dma_wait3A_175 : memref<8x8x128xf32, #tpu.memory_space<hbm>>)
    %dma_wait3A_180 = arith.constant 0 : i32
    %dma_wait3A_181 = arith.constant 0 : i32
    %dma_wait3A_182 = arith.constant 0 : i32
    %dma_wait3A_183 = arith.constant 0 : i32
    %dma_wait3A_184 = tpu.memref_slice %arg11[%dma_wait3A_181, %dma_wait3A_182, %dma_wait3A_183] : memref<8x8x129xf32, #tpu.memory_space<vmem>> -> memref<8x8x128xf32, #tpu.memory_space<vmem>>
    %dma_wait3A_185 = arith.constant 0 : i32
    %dma_wait3A_186 = arith.constant 0 : i32
    %dma_wait3A_187 = arith.constant 0 : i32
    %dma_wait3A_188 = tpu.memref_slice %arg5[%dma_wait3A_180, %dma_wait3A_185, %add3A, %dma_wait3A_186, %dma_wait3A_187] : memref<50x8x32x8x128xf32, #tpu.memory_space<hbm>> -> memref<1x8x1x8x128xf32, #tpu.memory_space<hbm>>
    %dma_wait3A_189 = tpu.memref_squeeze %dma_wait3A_188 : memref<1x8x1x8x128xf32, #tpu.memory_space<hbm>> -> memref<8x8x128xf32, #tpu.memory_space<hbm>>
    %dma_wait3A_190 = arith.constant 0 : i32
    %dma_wait3A_191 = arith.constant 0 : i32
    %dma_wait3A_192 = arith.constant 0 : i32
    %dma_wait3A_193 = tpu.memref_slice %arg5[%dma_wait3A_180, %dma_wait3A_190, %add3A, %dma_wait3A_191, %dma_wait3A_192] : memref<50x8x32x8x128xf32, #tpu.memory_space<hbm>> -> memref<1x8x1x8x128xf32, #tpu.memory_space<hbm>>
    %dma_wait3A_194 = tpu.memref_squeeze %dma_wait3A_193 : memref<1x8x1x8x128xf32, #tpu.memory_space<hbm>> -> memref<8x8x128xf32, #tpu.memory_space<hbm>>
    %dma_wait3A_195 = arith.constant 0 : i32
    %dma_wait3A_196 = arith.constant 0 : i32
    %dma_wait3A_197 = arith.constant 0 : i32
    %dma_wait3A_198 = tpu.memref_slice %arg11[%dma_wait3A_195, %dma_wait3A_196, %dma_wait3A_197] : memref<8x8x129xf32, #tpu.memory_space<vmem>> -> memref<8x8x128xf32, #tpu.memory_space<vmem>>
    tpu.wait_dma2 semaphore(%arg15 : memref<!tpu.dma_semaphore, #tpu.memory_space<semaphore_mem>>) src(%dma_wait3A_198 : memref<8x8x128xf32, #tpu.memory_space<vmem>>) dst(%dma_wait3A_194 : memref<8x8x128xf32, #tpu.memory_space<hbm>>)
    return
  }
}

</mosaic_0001>

<sc_bundles>
// kernel: kernel.3.cloned.1.call-start
scs
__scs_entry_jumppad:
0x0: {  	(pc) =	sbr.rel $0x88, $3  }
0x1: {  	(tag) =	ssettag $0x0;
	lr =	simm.s32 $0x1  }
0x2: {  	[smem:$0x3F9F] =	sst lr;
	_ =	strace $0xD0000000  }
0x3: {  	_ = 	snop  }
0x4: {  	_ = 	snop  }
0x5: {  	_ = 	snop  }
0x6: {  	_ = 	snop  }
0x7: {  	_ = 	snop  }
__scs_overlays_trampoline_lowered:
0x8: {  	[smem:$0x3FAE] =	sst s0  }
0x9: {  	[smem:$0x3FAF] =	sst s1  }
0xa: {  	[smem:$0x3FB0] =	sst s2  }
0xb: {  	[smem:$0x3FB1] =	sst s3  }
0xc: {  	[smem:$0x3FB2] =	sst s4  }
0xd: {  	[smem:$0x3FB3] =	sst s5  }
0xe: {  	[smem:$0x3FB4] =	sst s6  }
0xf: {  	[smem:$0x3FB5] =	sst s7  }
0x10: {  	[smem:$0x3FB6] =	sst s8  }
0x11: {  	[smem:$0x3FB7] =	sst s9;
	s0 =	simm.s32 @!p0 $0x0  }
0x12: {  	s1 =	sld [smem:$0x3F9D];
	s0 =	simm.s32 @p0 $0x1  }
0x13: {  	[smem:$0x3FB8] =	sst s0;
	s0 =	simm.s32 @!p1 $0x0  }
0x14: {  	s2 =	sld [smem:$0x3F9C];
	s0 =	simm.s32 @p1 $0x1  }
0x15: {  	[smem:$0x3FB9] =	sst s0;
	s0 =	simm.s32 @!p2 $0x0  }
0x16: {  	s3 =	sld [smem:$0x3FDB];
	s0 =	simm.s32 @p2 $0x1  }
0x17: {  	s4 =	simm.s32 $0x1BF5;
	[smem:$0x3FBB] =	sst s0  }
0x18: {  	s0 =	sld [smem:$0x3F9E];
	_ =	swait.ge [sflag:s4], $0x0  }
0x19: {  	s7 =	sld [smem:$0x3F9F]  }
0x1a: {  	s8 =	sadd.s32 $0xFFFFE003, lr  }
0x1b: {  	s9 =	sadd.s32 $0xFFFFFEF7, lr;
	s5 =	simm.s32 $0xFFFFFFFF;
	p2 =	slt.u32 s8, $0xFFFFF086  }
0x1c: {  	p1 =	slt.u32 s9, $0xF7A;
	s5 =	simm.s32 @!p2 $0x0  }
0x1d: {  	s5 =	simm.s32 @p1 $0x1;
	p0 =	seq.s32 s7, s2  }
0x1e: {  	s7 =	smul.u32 @!p0 $0xF7A, s2;
	p2 =	seq.s32 @!p0 s5, $0x0  }
0x1f: {  	s9 =	smul.u32 $0xF7A, s1;
	s8 =	simm.s32 @!p0 $0x1BF5;
	p2 =	por !p2, p0  }
0x20: {  	[sflag:s8] =	ssyncset.s32 @!p0 $0xFFFFF086;
	s6 =	sadd.s32 @!p0 s3, s7;
	s7 =	simm.s32 @!p0 $0x108  }
0x21: {  	s3 =	sadd.s32 s3, s9;
	s6 =	sadd.s32 @!p0 $0x88, s6;
	s7 =	simm.s32 @p2 $0x1082  }
0x22: {  	[simem:s7], [sflag:s8] =	dma.local @!p0 [hbm:s6], $0xF7A  }
0x23: {  	s9 =	sor.u32 $0xD0000000, s2;
	s6 =	simm.s32 $0x108;
	_ =	swait.ge @!p0 [sflag:s8], $0x0  }
0x24: {  	s3 =	sadd.s32 $0x88, s3;
	s6 =	simm.s32 @!p1 $0x1082;
	[sflag:s4] =	ssyncset.s32 $0xFFFFF086  }
0x25: {  	[simem:s6], [sflag:s4] =	dma.local [hbm:s3], $0xF7A  }
0x26: {  	[smem:$0x3F9F] =	sst s1;
	(tag) =	ssettag s2;
	_ =	strace s9  }
0x27: {  	s1 =	sld [smem:$0x3FAF]  }
0x28: {  	s2 =	sld [smem:$0x3FB0]  }
0x29: {  	s4 =	sld [smem:$0x3FB2]  }
0x2a: {  	p0 =	seq.s32 s5, $0x0;
	s5 =	sld [smem:$0x3FB3]  }
0x2b: {  	s6 =	sld [smem:$0x3FB4]  }
0x2c: {  	s7 =	sld [smem:$0x3FB5]  }
0x2d: {  	s3 =	simm.s32 $0x108;
	s8 =	sld [smem:$0x3FB6]  }
0x2e: {  	s3 =	simm.s32 @!p0 $0x1082;
	s9 =	sld [smem:$0x3FB7]  }
0x2f: {  	lr =	sadd.s32 s0, s3;
	s0 =	sld [smem:$0x3FAE]  }
0x30: {  	s3 =	sld [smem:$0x3FB1]  }
0x31: {  	[smem:$0x3FBA] =	sst s10  }
0x32: {  	s10 =	sld [smem:$0x3FB8];
	_ =	sdelay $0x3  }
0x33: {  	p0 =	seq.s32 s10, $0x1;
	s10 =	sld [smem:$0x3FBA];
	_ =	sdelay $0x3  }
0x34: {  	[smem:$0x3FBA] =	sst s10  }
0x35: {  	s10 =	sld [smem:$0x3FB9];
	_ =	sdelay $0x3  }
0x36: {  	p1 =	seq.s32 s10, $0x1;
	s10 =	sld [smem:$0x3FBA];
	_ =	sdelay $0x3  }
0x37: {  	[smem:$0x3FBA] =	sst s10  }
0x38: {  	s10 =	sld [smem:$0x3FBB]  }
0x39: {  	_ = 	snop;
	(pc) =	sbr.ind lr, $3  }
0x3a: {  	_ = 	snop  }
0x3b: {  	_ = 	snop  }
0x3c: {  	p2 =	seq.s32 s10, $0x1;
	s10 =	sld [smem:$0x3FBA]  }
0x3d: {  	_ =	shalt  }
0x3e: {  	_ =	shalt  }
0x3f: {  	_ =	shalt  }
0x40: {  	_ =	shalt  }
0x41: {  	_ =	shalt  }
0x42: {  	_ =	shalt  }
0x43: {  	_ =	shalt  }
0x44: {  	_ =	shalt  }
0x45: {  	_ =	shalt  }
0x46: {  	_ =	shalt  }
0x47: {  	_ =	shalt  }
0x48: {  	_ =	shalt  }
0x49: {  	_ =	shalt  }
0x4a: {  	_ =	shalt  }
0x4b: {  	_ =	shalt  }
0x4c: {  	_ =	shalt  }
0x4d: {  	_ =	shalt  }
0x4e: {  	_ =	shalt  }
0x4f: {  	_ =	shalt  }
0x50: {  	_ =	shalt  }
0x51: {  	_ =	shalt  }
0x52: {  	_ =	shalt  }
0x53: {  	_ =	shalt  }
0x54: {  	_ =	shalt  }
0x55: {  	_ =	shalt  }
0x56: {  	_ =	shalt  }
0x57: {  	_ =	shalt  }
0x58: {  	_ =	shalt  }
0x59: {  	_ =	shalt  }
0x5a: {  	_ =	shalt  }
0x5b: {  	_ =	shalt  }
0x5c: {  	_ =	shalt  }
0x5d: {  	_ =	shalt  }
0x5e: {  	_ =	shalt  }
0x5f: {  	_ =	shalt  }
0x60: {  	_ =	shalt  }
0x61: {  	_ =	shalt  }
0x62: {  	_ =	shalt  }
0x63: {  	_ =	shalt  }
0x64: {  	_ =	shalt  }
0x65: {  	_ =	shalt  }
0x66: {  	_ =	shalt  }
0x67: {  	_ =	shalt  }
0x68: {  	_ =	shalt  }
0x69: {  	_ =	shalt  }
0x6a: {  	_ =	shalt  }
0x6b: {  	_ =	shalt  }
0x6c: {  	_ =	shalt  }
0x6d: {  	_ =	shalt  }
0x6e: {  	_ =	shalt  }
0x6f: {  	_ =	shalt  }
0x70: {  	_ =	shalt  }
0x71: {  	_ =	shalt  }
0x72: {  	_ =	shalt  }
0x73: {  	_ =	shalt  }
0x74: {  	_ =	shalt  }
0x75: {  	_ =	shalt  }
0x76: {  	_ =	shalt  }
0x77: {  	_ =	shalt  }
0x78: {  	_ =	shalt  }
0x79: {  	_ =	shalt  }
0x7a: {  	_ =	shalt  }
0x7b: {  	_ =	shalt  }
0x7c: {  	_ =	shalt  }
0x7d: {  	_ =	shalt  }
0x7e: {  	_ =	shalt  }
0x7f: {  	_ =	shalt  }
0x80: {  	_ =	shalt  }
0x81: {  	_ =	shalt  }
0x82: {  	_ =	shalt  }
0x83: {  	_ =	shalt  }
0x84: {  	_ =	shalt  }
0x85: {  	_ =	shalt  }
0x86: {  	_ =	shalt  }
0x87: {  	_ =	shalt  }
.Lfunc_end0:
.L_simem_size_0:
called_computation_lowered:
.L_overlay_start_0:
0x88: {  	s2 =	sld [smem:$0x3FD9]  }
0x89: {  	s3 =	sld [smem:$0x3FFE];
	_ =	sdelay $0x1  }
0x8a: {  	s1 =	srdreg.scid  }
0x8b: {  	s0 =	sand.u32 $0x1, s1  }
0x8c: {  	s17 =	sshll.u32 s0, $0xA;
	s2 =	sadd.s32 s3, s2  }
0x8d: {  	s2 =	sadd.s32 s2, s17  }
0x8e: {  	[smem:$0x3FC6] =	sst s2  }
0x8f: {  	_ = 	snop  }
0x90: {  	s2 =	sld [smem:$0x3FD0];
	(tm) =	ssettm $0x1  }
0x91: {  	s18 =	sld [smem:$0x3FFB];
	_ =	sdelay $0x3  }
0x92: {  	_ =	strace s18  }
0x93: {  	s3 =	sld [smem:$0x3FFC];
	_ =	sdelay $0x3  }
0x94: {  	_ =	strace s3  }
0x95: {  	s3 =	sld [smem:$0x3FFD];
	_ =	sdelay $0x3  }
0x96: {  	_ =	strace s3  }
0x97: {  	_ =	strace $0x8FFFFFFF  }
0x98: {  	s19 =	sld [smem:$0x3FDB];
	_ =	sdelay $0x1  }
0x99: {  	s4 =	simm.s32 $_scs_section_size  }
0x9a: {  	s5 =	simm.s32 $_size__tile_overlayer_lowered;
	s6 =	simm.s32 $_tile_overlayer_lowered  }
0x9b: {  	s22 =	simm.s32 $0x1BFF;
	s21 =	sshll.u32 s6, $0x1;
	s3 =	sadd.s32 s4, s19  }
0x9c: {  	s7 =	simm.s32 $0x0;
	s20 =	sshll.u32 s5, $0x1;
	s5 =	sadd.s32 s21, s3  }
0x9d: {  	[timem:s7], [sflag:s22] =	dma.local [hbm:s5], s20  }
0x9e: {  	_ =	swait.ge [sflag:s22], s20  }
0x9f: {  	s4 =	ssub.s32 $0x0, s20;
	[sflag:s22] =	ssyncset.done $0x0  }
0xa0: {  	[sflag:s22] =	ssyncadd.s32 s4;
	_ =	sdelay $0x1  }
0xa1: {  	s23 =	simm.s32 $0x1B8B  }
0xa2: {  	_ =	swait.ge [sflag:s23], $0x1  }
0xa3: {  	[sflag:s23] =	ssyncset.done $0x0  }
0xa4: {  	s25 =	simm.s32 $0x1B8E;
	s24 =	sld [smem:$0x3FFE];
	[sflag:s23] =	ssyncadd.s32 $0xFFFFFFFF  }
0xa5: {  	s26 =	simm.s32 $execute0_lowered;
	[smem:$0x3FD2] =	sst s25  }
0xa6: {  	s5 =	sshll.u32 s26, $0x1;
	_ =	strace $0x80000046;
	[dreg:$0x1] =	wrdreg $0xFFFFFFFF  }
0xa7: {  	s28 =	simm.s32 $_size_execute0_lowered;
	s3 =	sadd.s32 s3, s5;
	[dreg:$0x0] =	wrdreg $0x0  }
0xa8: {  	s5 =	sshll.u32 s28, $0x1;
	[dreg:$0x2] =	wrdreg s3  }
0xa9: {  	[dreg:$0x3] =	wrdreg s5  }
0xaa: {  	[dreg:$0x4] =	wrdreg $0xC0  }
0xab: {  	_ =	task [dreg:s7], $0x5FFFF  }
0xac: {  	[dreg:$0x1] =	wrdreg $0xFFFFFFFF  }
0xad: {  	[dreg:$0x0] =	wrdreg $0x60  }
0xae: {  	[dreg:$0x2] =	wrdreg s24  }
0xaf: {  	[dreg:$0x3] =	wrdreg s2  }
0xb0: {  	[dreg:$0x4] =	wrdreg $0x9  }
0xb1: {  	_ =	task.clear_ibuf [dreg:s7], $0x5FFFF;
	_ =	strace $0x90000046  }
0xb2: {  	s29 =	simm.s32 $0x9;
	_ =	strace $0x80000048  }
0xb3: {  	_ =	swait.ge [sflag:s29], $0x1  }
0xb4: {  	[sflag:s29] =	ssyncadd.s32 $0xFFFFFFFF  }
0xb5: {  	_ =	strace $0x90000048  }
0xb6: {  	_ =	sfence  }
0xb7: {  	s30 =	sld [smem:$0x0];
	_ =	sdelay $0x2  }
0xb8: {  	s31 =	sshll.u32 s1, $0xD;
	s1 =	sshrl.u32 s1, $0x2  }
0xb9: {  	s3 =	sand.u32 $0x4000, s31;
	s1 =	sadd.s32 s1, s30  }
0xba: {  	s0 =	sor.u32 s3, s0;
	s1 =	sshll.u32 s1, $0x11  }
0xbb: {  	s0 =	sor.u32 s1, s0  }
0xbc: {  	s0 =	sadd.s32 $0x8F2B, s0  }
0xbd: {  	[sflag:s0] =	ssyncadd.remote.s32 $0x1  }
0xbe: {  	_ =	sfence.sel $0xFFFF  }
0xbf: {  	[dreg:$0x0] =	wrdreg $0xFFFFFFFF;
	(pc) =	sbr.abs _section_cstart, $3  }
0xc0: {  	[dreg:$0x1] =	wrdreg $0xFFFFFFFF  }
0xc1: {  	_ =	task.clear_ibuf [dreg:s7], $0x2FFFF;
	_ =	strace $0x9FFFFFFF  }
0xc2: {  	(tm) =	ssettm $0x7FFFFFFF  }
0xc3: {  	_ =	shalt  }
tec
execute0_lowered:
.L_overlay_start_1:
0x0: {  	(tag) =	ssettag $0x1  }
0x1: {  	s5 =	rddreg [dreg:$0x0]  }
0x2: {  	s2 =	rddreg [dreg:$0x1]  }
0x3: {  	s0 =	rddreg [dreg:$0x2];
	s4 =	srdreg.scid  }
0x4: {  	s1 =	stileid.u32;
	s3 =	simm.s32 $0x0;
	s10 =	simm.s32 $0x1000  }
0x5: {  	s11 =	simm.s32 $0x5;
	s12 =	simm.s32 $0x1900;
	s13 =	simm.s32 $0x2580  }
0x6: {  	s14 =	simm.s32 $0x4580;
	s15 =	simm.s32 $0x1;
	s16 =	simm.s32 $0x6580  }
0x7: {  	s17 =	simm.s32 $0x2;
	s18 =	simm.s32 $0x8780;
	s19 =	simm.s32 $0x3  }
0x8: {  	s20 =	simm.s32 $0x4;
	s4 =	sand.u32 $0x1, s4;
	s6 =	sshll.u32 s1, $0x1  }
0x9: {  	s21 =	simm.s32 $0x0;
	[smem:$0x7FF] =	sst s3;
	s7 =	sor.u32 s4, s6  }
0xa: {  	v0 =	vlaneseq.u32;
	_ =	strace $0x80000047;
	s8 =	ssub.s32 $0x2, s4;
	s4 =	sadd.s32 $0x400, s5  }
0xb: {  	v0 =	vmul.u32 $0x88, v0;
	s6 =	sshll.u32 s7, $0x4;
	s9 =	sshrl.u32 s8, $0x1;
	s7 =	sshll.u32 s7, $0xA  }
0xc: {  	s6 =	sadd.s32 s6, s5;
	s5 =	sadd.s32 $0xF42E00, s5;
	s8 =	ssub.s32 s8, s9  }
0xd: {  	v1 =	vadd.s32 $0x880, v0;
	v2 =	vadd.s32 $0x1100, v0;
	v3 =	vadd.s32 $0x1980, v0;
	s9 =	simm.s32 $0x80;
	s6 =	sadd.s32 $0xA00, s6;
	s8 =	smax.u32 s8, $0x1  }
.LBB2_1:
0xe: {  	[tilespmem:s3], [sflag:$0x5] =	stream.strided.gather [hbm4b:s6+s9], $0x1900, s10, s9, $0x38;
	[tilespmem:$0xA980] =	vst v63  }
0xf: {  	_ =	swait.ge [sflag:s11], $0x1900  }
0x10: {  	[sflag:s11] =	ssyncset.done $0x0  }
0x11: {  	[sflag:s11] =	ssyncadd.s32 $0xFFFFE700  }
0x12: {  	[tilespmem:s12], [sflag:$0x5] =	stream.linear.gather [hbm4b:s4+s3], $0xC80, $0x38;
	[tilespmem:$0xA980] =	vst v63  }
0x13: {  	_ =	swait.ge [sflag:s11], $0xC80  }
0x14: {  	[sflag:s11] =	ssyncset.done $0x0  }
0x15: {  	s23 =	simm.s32 $0x0;
	[sflag:s11] =	ssyncadd.s32 $0xFFFFF380  }
0x16: {  	[tilespmem:s13], [sflag:$0x1] =	stream.indirect.gather [hbm4b:s5+s9], $0x40, s3, s9, $0xb8;
	[tilespmem:$0xA980] =	vst v63  }
.LBB2_3:
0x17: {  	p0 =	seq.s32 s23, $0x0  }
0x18: {  	s24 =	simm.s32 @!p0 $0x4  }
0x19: {  	s22 =	sshllo.u32 s23, $0x1;
	_ =	swait.ge @!p0 [sflag:s24], $0x2000  }
0x1a: {  	s25 =	sshll.u32 s22, $0x7;
	[sflag:s24] =	ssyncset.done @!p0 $0x0  }
0x1b: {  	s26 =	sand.u32 $0x3FFFFF80, s25;
	[sflag:s24] =	ssyncadd.s32 @!p0 $0xFFFFE000  }
0x1c: {  	[tilespmem:s14], [sflag:$0x2] =	stream.indirect.gather [hbm4b:s5+s9], $0x40, s26, s9, $0xb8;
	[tilespmem:$0xA980] =	vst v63  }
0x1d: {  	_ =	swait.ge [sflag:s15], $0x2000  }
0x1e: {  	[sflag:s15] =	ssyncset.done $0x0  }
0x1f: {  	s24 =	simm.s32 $0x2600;
	[sflag:s15] =	ssyncadd.s32 $0xFFFFE000  }
0x20: {  	s28 =	sshll.u32 s23, $0x7;
	v5 =	vld [tilespmem:s24+$0xFFFFFF80]  }
0x21: {  	s25 =	sand.u32 $0x3FFFFF80, s28;
	s26 =	simm.s32 $0x0  }
0x22: {  	v6 =	vmov s26;
	v4 =	vld [tilespmem:s25+$0x1900]  }
0x23: {  	v8 =	vand.u32 $0x7C, v6  }
0x24: {  	v9 =	vadd.s32 v0, v8  }
0x25: {  	v7 =	vmul.f32 $8.000000000e+00, v5;
	_ =	sdelay $0x1  }
0x26: {  	v6 =	vld [tilespmem:s25+$0x1920];
	v10 =	vadd.f32 v7, v4  }
0x27: {  	v5 =	vld [tilespmem:s25+$0x1910]  }
0x28: {  	v7 =	vld [tilespmem:s25+$0x1930];
	[tilespmem:v9+s16+$0x0] =	vst.idx.msk $0xffff, v10  }
0x29: {  	v9 =	vld [tilespmem:s24+$0xFFFFFF90];
	_ =	sdelay $0x3  }
0x2a: {  	v10 =	vadd.s32 v1, v8  }
0x2b: {  	v9 =	vmul.f32 $8.000000000e+00, v9;
	_ =	sdelay $0x1  }
0x2c: {  	v9 =	vadd.f32 v9, v5;
	_ =	sdelay $0x1  }
0x2d: {  	[tilespmem:v10+s16+$0x0] =	vst.idx.msk $0xffff, v9  }
0x2e: {  	v9 =	vld [tilespmem:s24+$0xFFFFFFA0];
	_ =	sdelay $0x3  }
0x2f: {  	v10 =	vadd.s32 v2, v8  }
0x30: {  	v9 =	vmul.f32 $8.000000000e+00, v9;
	_ =	sdelay $0x1  }
0x31: {  	v9 =	vadd.f32 v9, v6;
	_ =	sdelay $0x1  }
0x32: {  	[tilespmem:v10+s16+$0x0] =	vst.idx.msk $0xffff, v9  }
0x33: {  	v9 =	vld [tilespmem:s24+$0xFFFFFFB0];
	_ =	sdelay $0x3  }
0x34: {  	v8 =	vadd.s32 v3, v8  }
0x35: {  	v9 =	vmul.f32 $8.000000000e+00, v9;
	_ =	sdelay $0x1  }
0x36: {  	v9 =	vadd.f32 v9, v7;
	_ =	sdelay $0x1  }
0x37: {  	[tilespmem:v8+s16+$0x0] =	vst.idx.msk $0xffff, v9  }
0x38: {  	v8 =	vld [tilespmem:s24+$0xFFFFFFC0]  }
0x39: {  	s29 =	simm.s32 $0x1  }
0x3a: {  	v9 =	vmov s29  }
0x3b: {  	v9 =	vand.u32 $0x7D, v9  }
0x3c: {  	v10 =	vadd.s32 v0, v9  }
0x3d: {  	v8 =	vmul.f32 $8.000000000e+00, v8;
	_ =	sdelay $0x1  }
0x3e: {  	v8 =	vadd.f32 v8, v4;
	_ =	sdelay $0x1  }
0x3f: {  	[tilespmem:v10+s16+$0x0] =	vst.idx.msk $0xffff, v8  }
0x40: {  	v8 =	vld [tilespmem:s24+$0xFFFFFFD0];
	_ =	sdelay $0x3  }
0x41: {  	v10 =	vadd.s32 v1, v9  }
0x42: {  	v8 =	vmul.f32 $8.000000000e+00, v8;
	_ =	sdelay $0x1  }
0x43: {  	v8 =	vadd.f32 v8, v5;
	_ =	sdelay $0x1  }
0x44: {  	[tilespmem:v10+s16+$0x0] =	vst.idx.msk $0xffff, v8  }
0x45: {  	v8 =	vld [tilespmem:s24+$0xFFFFFFE0];
	_ =	sdelay $0x3  }
0x46: {  	v10 =	vadd.s32 v2, v9  }
0x47: {  	v8 =	vmul.f32 $8.000000000e+00, v8;
	_ =	sdelay $0x1  }
0x48: {  	v8 =	vadd.f32 v8, v6;
	_ =	sdelay $0x1  }
0x49: {  	[tilespmem:v10+s16+$0x0] =	vst.idx.msk $0xffff, v8  }
0x4a: {  	v8 =	vld [tilespmem:s24+$0xFFFFFFF0];
	_ =	sdelay $0x3  }
0x4b: {  	v9 =	vadd.s32 v3, v9  }
0x4c: {  	v8 =	vmul.f32 $8.000000000e+00, v8;
	_ =	sdelay $0x1  }
0x4d: {  	v8 =	vadd.f32 v8, v7;
	_ =	sdelay $0x1  }
0x4e: {  	[tilespmem:v9+s16+$0x0] =	vst.idx.msk $0xffff, v8  }
0x4f: {  	v8 =	vld [tilespmem:s24+$0x0]  }
0x50: {  	s30 =	simm.s32 $0x2  }
0x51: {  	v9 =	vmov s30  }
0x52: {  	v9 =	vand.u32 $0x7E, v9  }
0x53: {  	v10 =	vadd.s32 v0, v9  }
0x54: {  	v8 =	vmul.f32 $8.000000000e+00, v8;
	_ =	sdelay $0x1  }
0x55: {  	v8 =	vadd.f32 v8, v4;
	_ =	sdelay $0x1  }
0x56: {  	[tilespmem:v10+s16+$0x0] =	vst.idx.msk $0xffff, v8  }
0x57: {  	v8 =	vld [tilespmem:s24+$0x10];
	_ =	sdelay $0x3  }
0x58: {  	v10 =	vadd.s32 v1, v9  }
0x59: {  	v8 =	vmul.f32 $8.000000000e+00, v8;
	_ =	sdelay $0x1  }
0x5a: {  	v8 =	vadd.f32 v8, v5;
	_ =	sdelay $0x1  }
0x5b: {  	[tilespmem:v10+s16+$0x0] =	vst.idx.msk $0xffff, v8  }
0x5c: {  	v8 =	vld [tilespmem:s24+$0x20];
	_ =	sdelay $0x3  }
0x5d: {  	v10 =	vadd.s32 v2, v9  }
0x5e: {  	v8 =	vmul.f32 $8.000000000e+00, v8;
	_ =	sdelay $0x1  }
0x5f: {  	v8 =	vadd.f32 v8, v6;
	_ =	sdelay $0x1  }
0x60: {  	[tilespmem:v10+s16+$0x0] =	vst.idx.msk $0xffff, v8  }
0x61: {  	v8 =	vld [tilespmem:s24+$0x30];
	_ =	sdelay $0x3  }
0x62: {  	v9 =	vadd.s32 v3, v9  }
0x63: {  	v8 =	vmul.f32 $8.000000000e+00, v8;
	_ =	sdelay $0x1  }
0x64: {  	v8 =	vadd.f32 v8, v7;
	_ =	sdelay $0x1  }
0x65: {  	[tilespmem:v9+s16+$0x0] =	vst.idx.msk $0xffff, v8  }
0x66: {  	v8 =	vld [tilespmem:s24+$0x40]  }
0x67: {  	s31 =	simm.s32 $0x3  }
0x68: {  	v9 =	vmov s31  }
0x69: {  	v9 =	vand.u32 $0x7F, v9  }
0x6a: {  	v10 =	vadd.s32 v0, v9  }
0x6b: {  	v8 =	vmul.f32 $8.000000000e+00, v8;
	_ =	sdelay $0x1  }
0x6c: {  	v8 =	vadd.f32 v8, v4;
	_ =	sdelay $0x1  }
0x6d: {  	[tilespmem:v10+s16+$0x0] =	vst.idx.msk $0xffff, v8  }
0x6e: {  	v8 =	vld [tilespmem:s24+$0x50];
	_ =	sdelay $0x3  }
0x6f: {  	v10 =	vadd.s32 v1, v9  }
0x70: {  	v8 =	vmul.f32 $8.000000000e+00, v8;
	_ =	sdelay $0x1  }
0x71: {  	v8 =	vadd.f32 v8, v5;
	_ =	sdelay $0x1  }
0x72: {  	[tilespmem:v10+s16+$0x0] =	vst.idx.msk $0xffff, v8  }
0x73: {  	v8 =	vld [tilespmem:s24+$0x60];
	_ =	sdelay $0x3  }
0x74: {  	v10 =	vadd.s32 v2, v9  }
0x75: {  	v8 =	vmul.f32 $8.000000000e+00, v8;
	_ =	sdelay $0x1  }
0x76: {  	v8 =	vadd.f32 v8, v6;
	_ =	sdelay $0x1  }
0x77: {  	[tilespmem:v10+s16+$0x0] =	vst.idx.msk $0xffff, v8  }
0x78: {  	v8 =	vld [tilespmem:s24+$0x70];
	_ =	sdelay $0x4  }
0x79: {  	v10 =	vmul.f32 $8.000000000e+00, v8;
	v8 =	vadd.s32 v3, v9;
	_ =	sdelay $0x2  }
0x7a: {  	s25 =	simm.s32 $0x4;
	v9 =	vadd.f32 v10, v7  }
.LBB2_4:
0x7b: {  	p0 =	slt.u32 s25, $0x7C  }
0x7c: {  	s24 =	sadd.s32 $0x100, s24;
	s26 =	smov.u32 s25;
	s25 =	sadd.s32 $0x4, s25;
	[tilespmem:v8+s16+$0x0] =	vst.idx.msk $0xffff, v9  }
0x7d: {  	v8 =	vld [tilespmem:s24+$0xFFFFFF80];
	_ =	sdelay $0x1  }
0x7e: {  	v9 =	vmov s26  }
0x7f: {  	v9 =	vand.u32 $0x7C, v9  }
0x80: {  	v10 =	vadd.s32 v0, v9  }
0x81: {  	v8 =	vmul.f32 $8.000000000e+00, v8;
	_ =	sdelay $0x1  }
0x82: {  	v8 =	vadd.f32 v8, v4;
	_ =	sdelay $0x1  }
0x83: {  	[tilespmem:v10+s16+$0x0] =	vst.idx.msk $0xffff, v8  }
0x84: {  	v8 =	vld [tilespmem:s24+$0xFFFFFF90];
	_ =	sdelay $0x3  }
0x85: {  	v10 =	vadd.s32 v1, v9  }
0x86: {  	v8 =	vmul.f32 $8.000000000e+00, v8;
	_ =	sdelay $0x1  }
0x87: {  	v8 =	vadd.f32 v8, v5;
	_ =	sdelay $0x1  }
0x88: {  	[tilespmem:v10+s16+$0x0] =	vst.idx.msk $0xffff, v8  }
0x89: {  	v8 =	vld [tilespmem:s24+$0xFFFFFFA0];
	_ =	sdelay $0x3  }
0x8a: {  	v10 =	vadd.s32 v2, v9  }
0x8b: {  	v8 =	vmul.f32 $8.000000000e+00, v8;
	_ =	sdelay $0x1  }
0x8c: {  	v8 =	vadd.f32 v8, v6;
	_ =	sdelay $0x1  }
0x8d: {  	[tilespmem:v10+s16+$0x0] =	vst.idx.msk $0xffff, v8  }
0x8e: {  	v8 =	vld [tilespmem:s24+$0xFFFFFFB0];
	_ =	sdelay $0x3  }
0x8f: {  	v9 =	vadd.s32 v3, v9  }
0x90: {  	v8 =	vmul.f32 $8.000000000e+00, v8;
	_ =	sdelay $0x1  }
0x91: {  	v8 =	vadd.f32 v8, v7;
	_ =	sdelay $0x1  }
0x92: {  	[tilespmem:v9+s16+$0x0] =	vst.idx.msk $0xffff, v8  }
0x93: {  	v8 =	vld [tilespmem:s24+$0xFFFFFFC0]  }
0x94: {  	s28 =	sadd.s32 $0x1, s26  }
0x95: {  	v9 =	vmov s28  }
0x96: {  	v9 =	vand.u32 $0x7D, v9  }
0x97: {  	v10 =	vadd.s32 v0, v9  }
0x98: {  	v8 =	vmul.f32 $8.000000000e+00, v8;
	_ =	sdelay $0x1  }
0x99: {  	v8 =	vadd.f32 v8, v4;
	_ =	sdelay $0x1  }
0x9a: {  	[tilespmem:v10+s16+$0x0] =	vst.idx.msk $0xffff, v8  }
0x9b: {  	v8 =	vld [tilespmem:s24+$0xFFFFFFD0];
	_ =	sdelay $0x3  }
0x9c: {  	v10 =	vadd.s32 v1, v9  }
0x9d: {  	v8 =	vmul.f32 $8.000000000e+00, v8;
	_ =	sdelay $0x1  }
0x9e: {  	v8 =	vadd.f32 v8, v5;
	_ =	sdelay $0x1  }
0x9f: {  	[tilespmem:v10+s16+$0x0] =	vst.idx.msk $0xffff, v8  }
0xa0: {  	v8 =	vld [tilespmem:s24+$0xFFFFFFE0];
	_ =	sdelay $0x3  }
0xa1: {  	v10 =	vadd.s32 v2, v9  }
0xa2: {  	v8 =	vmul.f32 $8.000000000e+00, v8;
	_ =	sdelay $0x1  }
0xa3: {  	v8 =	vadd.f32 v8, v6;
	_ =	sdelay $0x1  }
0xa4: {  	[tilespmem:v10+s16+$0x0] =	vst.idx.msk $0xffff, v8  }
0xa5: {  	v8 =	vld [tilespmem:s24+$0xFFFFFFF0];
	_ =	sdelay $0x3  }
0xa6: {  	v9 =	vadd.s32 v3, v9  }
0xa7: {  	v8 =	vmul.f32 $8.000000000e+00, v8;
	_ =	sdelay $0x1  }
0xa8: {  	v8 =	vadd.f32 v8, v7;
	_ =	sdelay $0x1  }
0xa9: {  	[tilespmem:v9+s16+$0x0] =	vst.idx.msk $0xffff, v8  }
0xaa: {  	v8 =	vld [tilespmem:s24+$0x0]  }
0xab: {  	s28 =	sadd.s32 $0x2, s26  }
0xac: {  	v9 =	vmov s28  }
0xad: {  	v9 =	vand.u32 $0x7E, v9  }
0xae: {  	v10 =	vadd.s32 v0, v9  }
0xaf: {  	v8 =	vmul.f32 $8.000000000e+00, v8;
	_ =	sdelay $0x1  }
0xb0: {  	v8 =	vadd.f32 v8, v4;
	_ =	sdelay $0x1  }
0xb1: {  	[tilespmem:v10+s16+$0x0] =	vst.idx.msk $0xffff, v8  }
0xb2: {  	v8 =	vld [tilespmem:s24+$0x10];
	_ =	sdelay $0x3  }
0xb3: {  	v10 =	vadd.s32 v1, v9  }
0xb4: {  	v8 =	vmul.f32 $8.000000000e+00, v8;
	_ =	sdelay $0x1  }
0xb5: {  	v8 =	vadd.f32 v8, v5;
	_ =	sdelay $0x1  }
0xb6: {  	[tilespmem:v10+s16+$0x0] =	vst.idx.msk $0xffff, v8  }
0xb7: {  	v8 =	vld [tilespmem:s24+$0x20];
	_ =	sdelay $0x3  }
0xb8: {  	v10 =	vadd.s32 v2, v9  }
0xb9: {  	v8 =	vmul.f32 $8.000000000e+00, v8;
	_ =	sdelay $0x1  }
0xba: {  	v8 =	vadd.f32 v8, v6;
	_ =	sdelay $0x1  }
0xbb: {  	[tilespmem:v10+s16+$0x0] =	vst.idx.msk $0xffff, v8  }
0xbc: {  	v8 =	vld [tilespmem:s24+$0x30];
	_ =	sdelay $0x3  }
0xbd: {  	v9 =	vadd.s32 v3, v9  }
0xbe: {  	v8 =	vmul.f32 $8.000000000e+00, v8;
	_ =	sdelay $0x1  }
0xbf: {  	v8 =	vadd.f32 v8, v7;
	_ =	sdelay $0x1  }
0xc0: {  	[tilespmem:v9+s16+$0x0] =	vst.idx.msk $0xffff, v8  }
0xc1: {  	v8 =	vld [tilespmem:s24+$0x40]  }
0xc2: {  	s26 =	sadd.s32 $0x3, s26  }
0xc3: {  	v9 =	vmov s26  }
0xc4: {  	v9 =	vand.u32 $0x7F, v9  }
0xc5: {  	v10 =	vadd.s32 v0, v9  }
0xc6: {  	v8 =	vmul.f32 $8.000000000e+00, v8;
	_ =	sdelay $0x1  }
0xc7: {  	v8 =	vadd.f32 v8, v4;
	_ =	sdelay $0x1  }
0xc8: {  	[tilespmem:v10+s16+$0x0] =	vst.idx.msk $0xffff, v8  }
0xc9: {  	v8 =	vld [tilespmem:s24+$0x50];
	_ =	sdelay $0x3  }
0xca: {  	v10 =	vadd.s32 v1, v9  }
0xcb: {  	v8 =	vmul.f32 $8.000000000e+00, v8;
	_ =	sdelay $0x1  }
0xcc: {  	v8 =	vadd.f32 v8, v5;
	_ =	sdelay $0x1  }
0xcd: {  	[tilespmem:v10+s16+$0x0] =	vst.idx.msk $0xffff, v8  }
0xce: {  	v8 =	vld [tilespmem:s24+$0x60];
	_ =	sdelay $0x3  }
0xcf: {  	v10 =	vadd.s32 v2, v9  }
0xd0: {  	v8 =	vmul.f32 $8.000000000e+00, v8;
	_ =	sdelay $0x1  }
0xd1: {  	v8 =	vadd.f32 v8, v6;
	_ =	sdelay $0x1  }
0xd2: {  	[tilespmem:v10+s16+$0x0] =	vst.idx.msk $0xffff, v8  }
0xd3: {  	v10 =	vld [tilespmem:s24+$0x70];
	_ =	sdelay $0x2  }
.Ltmp0:
0xd4: {  	(pc) =	sbr.rel @p0 .LBB2_4-.Ltmp0, $3  }
0xd5: {  	v8 =	vadd.s32 v3, v9  }
0xd6: {  	v9 =	vmul.f32 $8.000000000e+00, v10;
	_ =	sdelay $0x1  }
0xd7: {  	v9 =	vadd.f32 v9, v7  }
0xd8: {  	_ = 	snop  }
0xd9: {  	s24 =	sshll.u32 s23, $0x13  }
0xda: {  	s24 =	sor.u32 s7, s24  }
0xdb: {  	s24 =	sshrl.u32 s24, $0x3  }
0xdc: {  	s30 =	simm.s32 $0x6580;
	[tilespmem:v8+s16+$0x0] =	vst.idx.msk $0xffff, v9;
	s25 =	sadd.s32 s2, s24  }
0xdd: {  	[hbm4b:s25+s3] =	stream.linear.scatter [tilespmem:s30], [sflag:$0x3], $0x80, $0x38;
	[tilespmem:$0xA980] =	vst v63  }
0xde: {  	s31 =	simm.s32 $0x6608;
	s26 =	sadd.s32 $0x10, s25  }
0xdf: {  	[hbm4b:s26+s3] =	stream.linear.scatter [tilespmem:s31], [sflag:$0x3], $0x80, $0x38;
	[tilespmem:$0xA980] =	vst v63  }
0xe0: {  	s28 =	simm.s32 $0x6938;
	s30 =	simm.s32 $0x6690;
	s31 =	sadd.s32 $0x20, s25  }
0xe1: {  	[hbm4b:s31+s3] =	stream.linear.scatter [tilespmem:s30], [sflag:$0x3], $0x80, $0x38;
	[tilespmem:$0xA980] =	vst v63  }
0xe2: {  	s24 =	simm.s32 $0x440;
	s30 =	simm.s32 $0x6718;
	s31 =	sadd.s32 $0x30, s25  }
0xe3: {  	[hbm4b:s31+s3] =	stream.linear.scatter [tilespmem:s30], [sflag:$0x3], $0x80, $0x38;
	[tilespmem:$0xA980] =	vst v63  }
0xe4: {  	s29 =	sadd.s32 $0x70, s25;
	s30 =	simm.s32 $0x67A0;
	s31 =	sadd.s32 $0x40, s25  }
0xe5: {  	[hbm4b:s31+s3] =	stream.linear.scatter [tilespmem:s30], [sflag:$0x3], $0x80, $0x38;
	[tilespmem:$0xA980] =	vst v63  }
0xe6: {  	s26 =	simm.s32 $0x2200;
	s30 =	simm.s32 $0x6828;
	s31 =	sadd.s32 $0x50, s25  }
0xe7: {  	[hbm4b:s31+s3] =	stream.linear.scatter [tilespmem:s30], [sflag:$0x3], $0x80, $0x38;
	[tilespmem:$0xA980] =	vst v63  }
0xe8: {  	s30 =	simm.s32 $0x68B0;
	s31 =	sadd.s32 $0x60, s25;
	s25 =	sadd.s32 $0x1000, s25  }
0xe9: {  	[hbm4b:s31+s3] =	stream.linear.scatter [tilespmem:s30], [sflag:$0x3], $0x80, $0x38;
	[tilespmem:$0xA980] =	vst v63  }
.LBB2_6:
0xea: {  	[hbm4b:s29+s3] =	stream.linear.scatter [tilespmem:s28], [sflag:$0x3], $0x80, $0x38;
	[tilespmem:$0xA980] =	vst v63  }
0xeb: {  	s28 =	smov.u32 s24;
	s24 =	smov.u32 s26  }
0xec: {  	s30 =	sadd.s32 $0x1100, s26;
	s24 =	sshra.s32 s24, $0x2;
	s29 =	sadd.s32 $0x6580, s28  }
0xed: {  	[hbm4b:s25+s3] =	stream.linear.scatter [tilespmem:s29], [sflag:$0x3], $0x80, $0x38;
	[tilespmem:$0xA980] =	vst v63  }
0xee: {  	p0 =	sne.s32 s26, $0x7700;
	s26 =	sadd.s32 $0x6608, s28;
	s29 =	sadd.s32 $0x10, s25  }
0xef: {  	[hbm4b:s29+s3] =	stream.linear.scatter [tilespmem:s26], [sflag:$0x3], $0x80, $0x38;
	[tilespmem:$0xA980] =	vst v63  }
0xf0: {  	s26 =	sadd.s32 $0x6690, s28;
	s29 =	sadd.s32 $0x20, s25  }
0xf1: {  	[hbm4b:s29+s3] =	stream.linear.scatter [tilespmem:s26], [sflag:$0x3], $0x80, $0x38;
	[tilespmem:$0xA980] =	vst v63  }
0xf2: {  	s26 =	sadd.s32 $0x6718, s28;
	s29 =	sadd.s32 $0x30, s25  }
0xf3: {  	[hbm4b:s29+s3] =	stream.linear.scatter [tilespmem:s26], [sflag:$0x3], $0x80, $0x38;
	[tilespmem:$0xA980] =	vst v63  }
0xf4: {  	s26 =	sadd.s32 $0x67A0, s28;
	s29 =	sadd.s32 $0x40, s25  }
0xf5: {  	[hbm4b:s29+s3] =	stream.linear.scatter [tilespmem:s26], [sflag:$0x3], $0x80, $0x38;
	[tilespmem:$0xA980] =	vst v63  }
.Ltmp1:
0xf6: {  	s26 =	sadd.s32 $0x6828, s28;
	s29 =	sadd.s32 $0x50, s25;
	(pc) =	sbr.rel @p0 .LBB2_6-.Ltmp1, $4  }
0xf7: {  	[hbm4b:s29+s3] =	stream.linear.scatter [tilespmem:s26], [sflag:$0x3], $0x80, $0x38;
	[tilespmem:$0xA980] =	vst v63  }
0xf8: {  	s26 =	sadd.s32 $0x68B0, s28;
	s29 =	sadd.s32 $0x60, s25;
	s28 =	sadd.s32 $0x6938, s28  }
0xf9: {  	[hbm4b:s29+s3] =	stream.linear.scatter [tilespmem:s26], [sflag:$0x3], $0x80, $0x38;
	[tilespmem:$0xA980] =	vst v63  }
0xfa: {  	s29 =	sadd.s32 $0x70, s25;
	s25 =	sadd.s32 $0x1000, s25;
	s26 =	smov.u32 s30  }
0xfb: {  	[hbm4b:s29+s3] =	stream.linear.scatter [tilespmem:s28], [sflag:$0x3], $0x80, $0x38;
	[tilespmem:$0xA980] =	vst v63  }
0xfc: {  	s26 =	sadd.s32 $0x6580, s24  }
0xfd: {  	[hbm4b:s25+s3] =	stream.linear.scatter [tilespmem:s26], [sflag:$0x3], $0x80, $0x38;
	[tilespmem:$0xA980] =	vst v63  }
0xfe: {  	s30 =	sadd.s32 $0x6608, s24;
	s31 =	sadd.s32 $0x10, s25  }
0xff: {  	[hbm4b:s31+s3] =	stream.linear.scatter [tilespmem:s30], [sflag:$0x3], $0x80, $0x38;
	[tilespmem:$0xA980] =	vst v63  }
0x100: {  	s29 =	sadd.s32 $0x6690, s24;
	s30 =	sadd.s32 $0x20, s25  }
0x101: {  	[hbm4b:s30+s3] =	stream.linear.scatter [tilespmem:s29], [sflag:$0x3], $0x80, $0x38;
	[tilespmem:$0xA980] =	vst v63  }
0x102: {  	s31 =	sadd.s32 $0x6718, s24;
	s29 =	sadd.s32 $0x30, s25  }
0x103: {  	[hbm4b:s29+s3] =	stream.linear.scatter [tilespmem:s31], [sflag:$0x3], $0x80, $0x38;
	[tilespmem:$0xA980] =	vst v63  }
0x104: {  	s30 =	sadd.s32 $0x67A0, s24;
	s31 =	sadd.s32 $0x40, s25  }
0x105: {  	[hbm4b:s31+s3] =	stream.linear.scatter [tilespmem:s30], [sflag:$0x3], $0x80, $0x38;
	[tilespmem:$0xA980] =	vst v63  }
0x106: {  	s29 =	sadd.s32 $0x6828, s24;
	s30 =	sadd.s32 $0x50, s25  }
0x107: {  	[hbm4b:s30+s3] =	stream.linear.scatter [tilespmem:s29], [sflag:$0x3], $0x80, $0x38;
	[tilespmem:$0xA980] =	vst v63  }
0x108: {  	p0 =	seq.s32 s23, $0x18;
	s31 =	sadd.s32 $0x68B0, s24;
	s29 =	sadd.s32 $0x60, s25  }
0x109: {  	[hbm4b:s29+s3] =	stream.linear.scatter [tilespmem:s31], [sflag:$0x3], $0x80, $0x38;
	[tilespmem:$0xA980] =	vst v63  }
0x10a: {  	s30 =	sadd.s32 $0x6938, s24;
	s24 =	simm.s32 @!p0 $0x3;
	s31 =	sadd.s32 $0x70, s25  }
0x10b: {  	[hbm4b:s31+s3] =	stream.linear.scatter [tilespmem:s30], [sflag:$0x3], $0x80, $0x38;
	[tilespmem:$0xA980] =	vst v63  }
0x10c: {  	_ =	swait.ge @!p0 [sflag:s24], $0x2000  }
0x10d: {  	s25 =	sshll.u32 @!p0 s23, $0x8;
	[sflag:s24] =	ssyncset.done @!p0 $0x0  }
0x10e: {  	[sflag:s24] =	ssyncadd.s32 @!p0 $0xFFFFE000;
	s24 =	sand.u32 @!p0 $0x3FFFFF00, s25  }
0x10f: {  	s26 =	simm.s32 @!p0 $0x2580;
	s25 =	simm.s32 @!p0 $0x80;
	s24 =	sadd.s32 @!p0 $0x100, s24  }
0x110: {  	[tilespmem:s26], [sflag:$0x1] =	stream.indirect.gather @!p0 [hbm4b:s5+s25], $0x40, s24, s25, $0xb8;
	[tilespmem:$0xA980] =	vst v63  }
0x111: {  	_ =	swait.ge [sflag:s17], $0x2000  }
0x112: {  	[sflag:s17] =	ssyncset.done $0x0  }
0x113: {  	s24 =	simm.s32 $0x4600;
	[sflag:s17] =	ssyncadd.s32 $0xFFFFE000  }
0x114: {  	s26 =	sshll.u32 s22, $0x6;
	v5 =	vld [tilespmem:s24+$0xFFFFFF80]  }
0x115: {  	s28 =	simm.s32 $0x0;
	s25 =	sand.u32 $0x3FFFFFC0, s26  }
0x116: {  	v6 =	vmov s28;
	v4 =	vld [tilespmem:s25+$0x1900]  }
0x117: {  	v8 =	vand.u32 $0x7C, v6  }
0x118: {  	v9 =	vadd.s32 v0, v8  }
0x119: {  	v7 =	vmul.f32 $8.000000000e+00, v5;
	_ =	sdelay $0x1  }
0x11a: {  	v6 =	vld [tilespmem:s25+$0x1920];
	v10 =	vadd.f32 v7, v4  }
0x11b: {  	v5 =	vld [tilespmem:s25+$0x1910]  }
0x11c: {  	v7 =	vld [tilespmem:s25+$0x1930];
	[tilespmem:v9+s18+$0x0] =	vst.idx.msk $0xffff, v10  }
0x11d: {  	v9 =	vld [tilespmem:s24+$0xFFFFFF90];
	_ =	sdelay $0x3  }
0x11e: {  	v10 =	vadd.s32 v1, v8  }
0x11f: {  	v9 =	vmul.f32 $8.000000000e+00, v9;
	_ =	sdelay $0x1  }
0x120: {  	v9 =	vadd.f32 v9, v5;
	_ =	sdelay $0x1  }
0x121: {  	[tilespmem:v10+s18+$0x0] =	vst.idx.msk $0xffff, v9  }
0x122: {  	v9 =	vld [tilespmem:s24+$0xFFFFFFA0];
	_ =	sdelay $0x3  }
0x123: {  	v10 =	vadd.s32 v2, v8  }
0x124: {  	v9 =	vmul.f32 $8.000000000e+00, v9;
	_ =	sdelay $0x1  }
0x125: {  	v9 =	vadd.f32 v9, v6;
	_ =	sdelay $0x1  }
0x126: {  	[tilespmem:v10+s18+$0x0] =	vst.idx.msk $0xffff, v9  }
0x127: {  	v9 =	vld [tilespmem:s24+$0xFFFFFFB0];
	_ =	sdelay $0x3  }
0x128: {  	v8 =	vadd.s32 v3, v8  }
0x129: {  	v9 =	vmul.f32 $8.000000000e+00, v9;
	_ =	sdelay $0x1  }
0x12a: {  	v9 =	vadd.f32 v9, v7;
	_ =	sdelay $0x1  }
0x12b: {  	[tilespmem:v8+s18+$0x0] =	vst.idx.msk $0xffff, v9  }
0x12c: {  	v8 =	vld [tilespmem:s24+$0xFFFFFFC0]  }
0x12d: {  	s29 =	simm.s32 $0x1  }
0x12e: {  	v9 =	vmov s29  }
0x12f: {  	v9 =	vand.u32 $0x7D, v9  }
0x130: {  	v10 =	vadd.s32 v0, v9  }
0x131: {  	v8 =	vmul.f32 $8.000000000e+00, v8;
	_ =	sdelay $0x1  }
0x132: {  	v8 =	vadd.f32 v8, v4;
	_ =	sdelay $0x1  }
0x133: {  	[tilespmem:v10+s18+$0x0] =	vst.idx.msk $0xffff, v8  }
0x134: {  	v8 =	vld [tilespmem:s24+$0xFFFFFFD0];
	_ =	sdelay $0x3  }
0x135: {  	v10 =	vadd.s32 v1, v9  }
0x136: {  	v8 =	vmul.f32 $8.000000000e+00, v8;
	_ =	sdelay $0x1  }
0x137: {  	v8 =	vadd.f32 v8, v5;
	_ =	sdelay $0x1  }
0x138: {  	[tilespmem:v10+s18+$0x0] =	vst.idx.msk $0xffff, v8  }
0x139: {  	v8 =	vld [tilespmem:s24+$0xFFFFFFE0];
	_ =	sdelay $0x3  }
0x13a: {  	v10 =	vadd.s32 v2, v9  }
0x13b: {  	v8 =	vmul.f32 $8.000000000e+00, v8;
	_ =	sdelay $0x1  }
0x13c: {  	v8 =	vadd.f32 v8, v6;
	_ =	sdelay $0x1  }
0x13d: {  	[tilespmem:v10+s18+$0x0] =	vst.idx.msk $0xffff, v8  }
0x13e: {  	v8 =	vld [tilespmem:s24+$0xFFFFFFF0];
	_ =	sdelay $0x3  }
0x13f: {  	v9 =	vadd.s32 v3, v9  }
0x140: {  	v8 =	vmul.f32 $8.000000000e+00, v8;
	_ =	sdelay $0x1  }
0x141: {  	v8 =	vadd.f32 v8, v7;
	_ =	sdelay $0x1  }
0x142: {  	[tilespmem:v9+s18+$0x0] =	vst.idx.msk $0xffff, v8  }
0x143: {  	v8 =	vld [tilespmem:s24+$0x0]  }
0x144: {  	s30 =	simm.s32 $0x2  }
0x145: {  	v9 =	vmov s30  }
0x146: {  	v9 =	vand.u32 $0x7E, v9  }
0x147: {  	v10 =	vadd.s32 v0, v9  }
0x148: {  	v8 =	vmul.f32 $8.000000000e+00, v8;
	_ =	sdelay $0x1  }
0x149: {  	v8 =	vadd.f32 v8, v4;
	_ =	sdelay $0x1  }
0x14a: {  	[tilespmem:v10+s18+$0x0] =	vst.idx.msk $0xffff, v8  }
0x14b: {  	v8 =	vld [tilespmem:s24+$0x10];
	_ =	sdelay $0x3  }
0x14c: {  	v10 =	vadd.s32 v1, v9  }
0x14d: {  	v8 =	vmul.f32 $8.000000000e+00, v8;
	_ =	sdelay $0x1  }
0x14e: {  	v8 =	vadd.f32 v8, v5;
	_ =	sdelay $0x1  }
0x14f: {  	[tilespmem:v10+s18+$0x0] =	vst.idx.msk $0xffff, v8  }
0x150: {  	v8 =	vld [tilespmem:s24+$0x20];
	_ =	sdelay $0x3  }
0x151: {  	v10 =	vadd.s32 v2, v9  }
0x152: {  	v8 =	vmul.f32 $8.000000000e+00, v8;
	_ =	sdelay $0x1  }
0x153: {  	v8 =	vadd.f32 v8, v6;
	_ =	sdelay $0x1  }
0x154: {  	[tilespmem:v10+s18+$0x0] =	vst.idx.msk $0xffff, v8  }
0x155: {  	v8 =	vld [tilespmem:s24+$0x30];
	_ =	sdelay $0x3  }
0x156: {  	v9 =	vadd.s32 v3, v9  }
0x157: {  	v8 =	vmul.f32 $8.000000000e+00, v8;
	_ =	sdelay $0x1  }
0x158: {  	v8 =	vadd.f32 v8, v7;
	_ =	sdelay $0x1  }
0x159: {  	[tilespmem:v9+s18+$0x0] =	vst.idx.msk $0xffff, v8  }
0x15a: {  	v8 =	vld [tilespmem:s24+$0x40]  }
0x15b: {  	s31 =	simm.s32 $0x3  }
0x15c: {  	v9 =	vmov s31  }
0x15d: {  	v9 =	vand.u32 $0x7F, v9  }
0x15e: {  	v10 =	vadd.s32 v0, v9  }
0x15f: {  	v8 =	vmul.f32 $8.000000000e+00, v8;
	_ =	sdelay $0x1  }
0x160: {  	v8 =	vadd.f32 v8, v4;
	_ =	sdelay $0x1  }
0x161: {  	[tilespmem:v10+s18+$0x0] =	vst.idx.msk $0xffff, v8  }
0x162: {  	v8 =	vld [tilespmem:s24+$0x50];
	_ =	sdelay $0x3  }
0x163: {  	v10 =	vadd.s32 v1, v9  }
0x164: {  	v8 =	vmul.f32 $8.000000000e+00, v8;
	_ =	sdelay $0x1  }
0x165: {  	v8 =	vadd.f32 v8, v5;
	_ =	sdelay $0x1  }
0x166: {  	[tilespmem:v10+s18+$0x0] =	vst.idx.msk $0xffff, v8  }
0x167: {  	v8 =	vld [tilespmem:s24+$0x60];
	_ =	sdelay $0x3  }
0x168: {  	v10 =	vadd.s32 v2, v9  }
0x169: {  	v8 =	vmul.f32 $8.000000000e+00, v8;
	_ =	sdelay $0x1  }
0x16a: {  	v8 =	vadd.f32 v8, v6;
	_ =	sdelay $0x1  }
0x16b: {  	[tilespmem:v10+s18+$0x0] =	vst.idx.msk $0xffff, v8  }
0x16c: {  	v8 =	vld [tilespmem:s24+$0x70];
	_ =	sdelay $0x4  }
0x16d: {  	v10 =	vmul.f32 $8.000000000e+00, v8;
	v8 =	vadd.s32 v3, v9;
	_ =	sdelay $0x2  }
0x16e: {  	s23 =	sadd.s32 $0x1, s23;
	s25 =	simm.s32 $0x4;
	v9 =	vadd.f32 v10, v7  }
.LBB2_8:
0x16f: {  	p0 =	slt.u32 s25, $0x7C  }
0x170: {  	s24 =	sadd.s32 $0x100, s24;
	s26 =	smov.u32 s25;
	s25 =	sadd.s32 $0x4, s25;
	[tilespmem:v8+s18+$0x0] =	vst.idx.msk $0xffff, v9  }
0x171: {  	v8 =	vld [tilespmem:s24+$0xFFFFFF80];
	_ =	sdelay $0x1  }
0x172: {  	v9 =	vmov s26  }
0x173: {  	v9 =	vand.u32 $0x7C, v9  }
0x174: {  	v10 =	vadd.s32 v0, v9  }
0x175: {  	v8 =	vmul.f32 $8.000000000e+00, v8;
	_ =	sdelay $0x1  }
0x176: {  	v8 =	vadd.f32 v8, v4;
	_ =	sdelay $0x1  }
0x177: {  	[tilespmem:v10+s18+$0x0] =	vst.idx.msk $0xffff, v8  }
0x178: {  	v8 =	vld [tilespmem:s24+$0xFFFFFF90];
	_ =	sdelay $0x3  }
0x179: {  	v10 =	vadd.s32 v1, v9  }
0x17a: {  	v8 =	vmul.f32 $8.000000000e+00, v8;
	_ =	sdelay $0x1  }
0x17b: {  	v8 =	vadd.f32 v8, v5;
	_ =	sdelay $0x1  }
0x17c: {  	[tilespmem:v10+s18+$0x0] =	vst.idx.msk $0xffff, v8  }
0x17d: {  	v8 =	vld [tilespmem:s24+$0xFFFFFFA0];
	_ =	sdelay $0x3  }
0x17e: {  	v10 =	vadd.s32 v2, v9  }
0x17f: {  	v8 =	vmul.f32 $8.000000000e+00, v8;
	_ =	sdelay $0x1  }
0x180: {  	v8 =	vadd.f32 v8, v6;
	_ =	sdelay $0x1  }
0x181: {  	[tilespmem:v10+s18+$0x0] =	vst.idx.msk $0xffff, v8  }
0x182: {  	v8 =	vld [tilespmem:s24+$0xFFFFFFB0];
	_ =	sdelay $0x3  }
0x183: {  	v9 =	vadd.s32 v3, v9  }
0x184: {  	v8 =	vmul.f32 $8.000000000e+00, v8;
	_ =	sdelay $0x1  }
0x185: {  	v8 =	vadd.f32 v8, v7;
	_ =	sdelay $0x1  }
0x186: {  	[tilespmem:v9+s18+$0x0] =	vst.idx.msk $0xffff, v8  }
0x187: {  	v8 =	vld [tilespmem:s24+$0xFFFFFFC0]  }
0x188: {  	s28 =	sadd.s32 $0x1, s26  }
0x189: {  	v9 =	vmov s28  }
0x18a: {  	v9 =	vand.u32 $0x7D, v9  }
0x18b: {  	v10 =	vadd.s32 v0, v9  }
0x18c: {  	v8 =	vmul.f32 $8.000000000e+00, v8;
	_ =	sdelay $0x1  }
0x18d: {  	v8 =	vadd.f32 v8, v4;
	_ =	sdelay $0x1  }
0x18e: {  	[tilespmem:v10+s18+$0x0] =	vst.idx.msk $0xffff, v8  }
0x18f: {  	v8 =	vld [tilespmem:s24+$0xFFFFFFD0];
	_ =	sdelay $0x3  }
0x190: {  	v10 =	vadd.s32 v1, v9  }
0x191: {  	v8 =	vmul.f32 $8.000000000e+00, v8;
	_ =	sdelay $0x1  }
0x192: {  	v8 =	vadd.f32 v8, v5;
	_ =	sdelay $0x1  }
0x193: {  	[tilespmem:v10+s18+$0x0] =	vst.idx.msk $0xffff, v8  }
0x194: {  	v8 =	vld [tilespmem:s24+$0xFFFFFFE0];
	_ =	sdelay $0x3  }
0x195: {  	v10 =	vadd.s32 v2, v9  }
0x196: {  	v8 =	vmul.f32 $8.000000000e+00, v8;
	_ =	sdelay $0x1  }
0x197: {  	v8 =	vadd.f32 v8, v6;
	_ =	sdelay $0x1  }
0x198: {  	[tilespmem:v10+s18+$0x0] =	vst.idx.msk $0xffff, v8  }
0x199: {  	v8 =	vld [tilespmem:s24+$0xFFFFFFF0];
	_ =	sdelay $0x3  }
0x19a: {  	v9 =	vadd.s32 v3, v9  }
0x19b: {  	v8 =	vmul.f32 $8.000000000e+00, v8;
	_ =	sdelay $0x1  }
0x19c: {  	v8 =	vadd.f32 v8, v7;
	_ =	sdelay $0x1  }
0x19d: {  	[tilespmem:v9+s18+$0x0] =	vst.idx.msk $0xffff, v8  }
0x19e: {  	v8 =	vld [tilespmem:s24+$0x0]  }
0x19f: {  	s28 =	sadd.s32 $0x2, s26  }
0x1a0: {  	v9 =	vmov s28  }
0x1a1: {  	v9 =	vand.u32 $0x7E, v9  }
0x1a2: {  	v10 =	vadd.s32 v0, v9  }
0x1a3: {  	v8 =	vmul.f32 $8.000000000e+00, v8;
	_ =	sdelay $0x1  }
0x1a4: {  	v8 =	vadd.f32 v8, v4;
	_ =	sdelay $0x1  }
0x1a5: {  	[tilespmem:v10+s18+$0x0] =	vst.idx.msk $0xffff, v8  }
0x1a6: {  	v8 =	vld [tilespmem:s24+$0x10];
	_ =	sdelay $0x3  }
0x1a7: {  	v10 =	vadd.s32 v1, v9  }
0x1a8: {  	v8 =	vmul.f32 $8.000000000e+00, v8;
	_ =	sdelay $0x1  }
0x1a9: {  	v8 =	vadd.f32 v8, v5;
	_ =	sdelay $0x1  }
0x1aa: {  	[tilespmem:v10+s18+$0x0] =	vst.idx.msk $0xffff, v8  }
0x1ab: {  	v8 =	vld [tilespmem:s24+$0x20];
	_ =	sdelay $0x3  }
0x1ac: {  	v10 =	vadd.s32 v2, v9  }
0x1ad: {  	v8 =	vmul.f32 $8.000000000e+00, v8;
	_ =	sdelay $0x1  }
0x1ae: {  	v8 =	vadd.f32 v8, v6;
	_ =	sdelay $0x1  }
0x1af: {  	[tilespmem:v10+s18+$0x0] =	vst.idx.msk $0xffff, v8  }
0x1b0: {  	v8 =	vld [tilespmem:s24+$0x30];
	_ =	sdelay $0x3  }
0x1b1: {  	v9 =	vadd.s32 v3, v9  }
0x1b2: {  	v8 =	vmul.f32 $8.000000000e+00, v8;
	_ =	sdelay $0x1  }
0x1b3: {  	v8 =	vadd.f32 v8, v7;
	_ =	sdelay $0x1  }
0x1b4: {  	[tilespmem:v9+s18+$0x0] =	vst.idx.msk $0xffff, v8  }
0x1b5: {  	v8 =	vld [tilespmem:s24+$0x40]  }
0x1b6: {  	s26 =	sadd.s32 $0x3, s26  }
0x1b7: {  	v9 =	vmov s26  }
0x1b8: {  	v9 =	vand.u32 $0x7F, v9  }
0x1b9: {  	v10 =	vadd.s32 v0, v9  }
0x1ba: {  	v8 =	vmul.f32 $8.000000000e+00, v8;
	_ =	sdelay $0x1  }
0x1bb: {  	v8 =	vadd.f32 v8, v4;
	_ =	sdelay $0x1  }
0x1bc: {  	[tilespmem:v10+s18+$0x0] =	vst.idx.msk $0xffff, v8  }
0x1bd: {  	v8 =	vld [tilespmem:s24+$0x50];
	_ =	sdelay $0x3  }
0x1be: {  	v10 =	vadd.s32 v1, v9  }
0x1bf: {  	v8 =	vmul.f32 $8.000000000e+00, v8;
	_ =	sdelay $0x1  }
0x1c0: {  	v8 =	vadd.f32 v8, v5;
	_ =	sdelay $0x1  }
0x1c1: {  	[tilespmem:v10+s18+$0x0] =	vst.idx.msk $0xffff, v8  }
0x1c2: {  	v8 =	vld [tilespmem:s24+$0x60];
	_ =	sdelay $0x3  }
0x1c3: {  	v10 =	vadd.s32 v2, v9  }
0x1c4: {  	v8 =	vmul.f32 $8.000000000e+00, v8;
	_ =	sdelay $0x1  }
0x1c5: {  	v8 =	vadd.f32 v8, v6;
	_ =	sdelay $0x1  }
0x1c6: {  	[tilespmem:v10+s18+$0x0] =	vst.idx.msk $0xffff, v8  }
0x1c7: {  	v10 =	vld [tilespmem:s24+$0x70];
	_ =	sdelay $0x2  }
.Ltmp2:
0x1c8: {  	(pc) =	sbr.rel @p0 .LBB2_8-.Ltmp2, $3  }
0x1c9: {  	v8 =	vadd.s32 v3, v9  }
0x1ca: {  	v9 =	vmul.f32 $8.000000000e+00, v10;
	_ =	sdelay $0x1  }
0x1cb: {  	v9 =	vadd.f32 v9, v7  }
0x1cc: {  	_ = 	snop  }
0x1cd: {  	s22 =	sshll.u32 s22, $0x12  }
0x1ce: {  	s22 =	sor.u32 s7, s22  }
0x1cf: {  	s22 =	sshrl.u32 s22, $0x3  }
0x1d0: {  	s26 =	simm.s32 $0x8780;
	[tilespmem:v8+s18+$0x0] =	vst.idx.msk $0xffff, v9;
	s24 =	sadd.s32 s2, s22  }
0x1d1: {  	[hbm4b:s24+s3] =	stream.linear.scatter [tilespmem:s26], [sflag:$0x4], $0x80, $0x38;
	[tilespmem:$0xA980] =	vst v63  }
0x1d2: {  	s29 =	simm.s32 $0x8808;
	s25 =	sadd.s32 $0x10, s24  }
0x1d3: {  	[hbm4b:s25+s3] =	stream.linear.scatter [tilespmem:s29], [sflag:$0x4], $0x80, $0x38;
	[tilespmem:$0xA980] =	vst v63  }
0x1d4: {  	s30 =	simm.s32 $0x8890;
	s22 =	simm.s32 $0x440;
	s31 =	sadd.s32 $0x20, s24  }
0x1d5: {  	[hbm4b:s31+s3] =	stream.linear.scatter [tilespmem:s30], [sflag:$0x4], $0x80, $0x38;
	[tilespmem:$0xA980] =	vst v63  }
0x1d6: {  	s26 =	simm.s32 $0x8918;
	s28 =	sadd.s32 $0x70, s24;
	s29 =	sadd.s32 $0x30, s24  }
0x1d7: {  	[hbm4b:s29+s3] =	stream.linear.scatter [tilespmem:s26], [sflag:$0x4], $0x80, $0x38;
	[tilespmem:$0xA980] =	vst v63  }
0x1d8: {  	s25 =	simm.s32 $0x2200;
	s30 =	simm.s32 $0x89A0;
	s31 =	sadd.s32 $0x40, s24  }
0x1d9: {  	[hbm4b:s31+s3] =	stream.linear.scatter [tilespmem:s30], [sflag:$0x4], $0x80, $0x38;
	[tilespmem:$0xA980] =	vst v63  }
0x1da: {  	s26 =	simm.s32 $0x8A28;
	s29 =	sadd.s32 $0x50, s24;
	s30 =	simm.s32 $0x8AB0  }
0x1db: {  	[hbm4b:s29+s3] =	stream.linear.scatter [tilespmem:s26], [sflag:$0x4], $0x80, $0x38;
	[tilespmem:$0xA980] =	vst v63  }
0x1dc: {  	s31 =	sadd.s32 $0x60, s24;
	s24 =	sadd.s32 $0x1000, s24;
	s26 =	simm.s32 $0x8B38  }
0x1dd: {  	[hbm4b:s31+s3] =	stream.linear.scatter [tilespmem:s30], [sflag:$0x4], $0x80, $0x38;
	[tilespmem:$0xA980] =	vst v63  }
.LBB2_10:
0x1de: {  	[hbm4b:s28+s3] =	stream.linear.scatter [tilespmem:s26], [sflag:$0x4], $0x80, $0x38;
	[tilespmem:$0xA980] =	vst v63  }
0x1df: {  	s26 =	smov.u32 s22;
	s22 =	smov.u32 s25  }
0x1e0: {  	s29 =	sadd.s32 $0x1100, s25;
	s22 =	sshra.s32 s22, $0x2;
	s28 =	sadd.s32 $0x8780, s26  }
0x1e1: {  	[hbm4b:s24+s3] =	stream.linear.scatter [tilespmem:s28], [sflag:$0x4], $0x80, $0x38;
	[tilespmem:$0xA980] =	vst v63  }
0x1e2: {  	p0 =	seq.s32 s25, $0x7700;
	s25 =	sadd.s32 $0x8808, s26;
	s28 =	sadd.s32 $0x10, s24  }
0x1e3: {  	[hbm4b:s28+s3] =	stream.linear.scatter [tilespmem:s25], [sflag:$0x4], $0x80, $0x38;
	[tilespmem:$0xA980] =	vst v63  }
0x1e4: {  	s25 =	sadd.s32 $0x8890, s26;
	s28 =	sadd.s32 $0x20, s24  }
0x1e5: {  	[hbm4b:s28+s3] =	stream.linear.scatter [tilespmem:s25], [sflag:$0x4], $0x80, $0x38;
	[tilespmem:$0xA980] =	vst v63  }
0x1e6: {  	s25 =	sadd.s32 $0x8918, s26;
	s28 =	sadd.s32 $0x30, s24  }
0x1e7: {  	[hbm4b:s28+s3] =	stream.linear.scatter [tilespmem:s25], [sflag:$0x4], $0x80, $0x38;
	[tilespmem:$0xA980] =	vst v63  }
0x1e8: {  	s25 =	sadd.s32 $0x89A0, s26;
	s28 =	sadd.s32 $0x40, s24  }
0x1e9: {  	[hbm4b:s28+s3] =	stream.linear.scatter [tilespmem:s25], [sflag:$0x4], $0x80, $0x38;
	[tilespmem:$0xA980] =	vst v63  }
.Ltmp3:
0x1ea: {  	s25 =	sadd.s32 $0x8A28, s26;
	s28 =	sadd.s32 $0x50, s24;
	(pc) =	sbr.rel @!p0 .LBB2_10-.Ltmp3, $4  }
0x1eb: {  	[hbm4b:s28+s3] =	stream.linear.scatter [tilespmem:s25], [sflag:$0x4], $0x80, $0x38;
	[tilespmem:$0xA980] =	vst v63  }
0x1ec: {  	s25 =	sadd.s32 $0x8AB0, s26;
	s28 =	sadd.s32 $0x60, s24;
	s26 =	sadd.s32 $0x8B38, s26  }
0x1ed: {  	[hbm4b:s28+s3] =	stream.linear.scatter [tilespmem:s25], [sflag:$0x4], $0x80, $0x38;
	[tilespmem:$0xA980] =	vst v63  }
0x1ee: {  	s28 =	sadd.s32 $0x70, s24;
	s24 =	sadd.s32 $0x1000, s24;
	s25 =	smov.u32 s29  }
0x1ef: {  	[hbm4b:s28+s3] =	stream.linear.scatter [tilespmem:s26], [sflag:$0x4], $0x80, $0x38;
	[tilespmem:$0xA980] =	vst v63  }
0x1f0: {  	s25 =	sadd.s32 $0x8780, s22  }
0x1f1: {  	[hbm4b:s24+s3] =	stream.linear.scatter [tilespmem:s25], [sflag:$0x4], $0x80, $0x38;
	[tilespmem:$0xA980] =	vst v63  }
0x1f2: {  	s30 =	sadd.s32 $0x8808, s22;
	s31 =	sadd.s32 $0x10, s24  }
0x1f3: {  	[hbm4b:s31+s3] =	stream.linear.scatter [tilespmem:s30], [sflag:$0x4], $0x80, $0x38;
	[tilespmem:$0xA980] =	vst v63  }
0x1f4: {  	s28 =	sadd.s32 $0x8890, s22;
	s29 =	sadd.s32 $0x20, s24  }
0x1f5: {  	[hbm4b:s29+s3] =	stream.linear.scatter [tilespmem:s28], [sflag:$0x4], $0x80, $0x38;
	[tilespmem:$0xA980] =	vst v63  }
0x1f6: {  	s30 =	sadd.s32 $0x8918, s22;
	s31 =	sadd.s32 $0x30, s24  }
0x1f7: {  	[hbm4b:s31+s3] =	stream.linear.scatter [tilespmem:s30], [sflag:$0x4], $0x80, $0x38;
	[tilespmem:$0xA980] =	vst v63  }
0x1f8: {  	s28 =	sadd.s32 $0x89A0, s22;
	s29 =	sadd.s32 $0x40, s24  }
0x1f9: {  	[hbm4b:s29+s3] =	stream.linear.scatter [tilespmem:s28], [sflag:$0x4], $0x80, $0x38;
	[tilespmem:$0xA980] =	vst v63  }
0x1fa: {  	s30 =	sadd.s32 $0x8A28, s22;
	s31 =	sadd.s32 $0x50, s24  }
0x1fb: {  	[hbm4b:s31+s3] =	stream.linear.scatter [tilespmem:s30], [sflag:$0x4], $0x80, $0x38;
	[tilespmem:$0xA980] =	vst v63  }
0x1fc: {  	s28 =	sadd.s32 $0x8AB0, s22;
	s29 =	sadd.s32 $0x60, s24  }
0x1fd: {  	[hbm4b:s29+s3] =	stream.linear.scatter [tilespmem:s28], [sflag:$0x4], $0x80, $0x38;
	[tilespmem:$0xA980] =	vst v63  }
0x1fe: {  	s30 =	sadd.s32 $0x8B38, s22;
	s31 =	sadd.s32 $0x70, s24  }
0x1ff: {  	[hbm4b:s31+s3] =	stream.linear.scatter [tilespmem:s30], [sflag:$0x4], $0x80, $0x38;
	[tilespmem:$0xA980] =	vst v63  }
0x200: {  	p0 =	seq.s32 s23, $0x19  }
.Ltmp4:
0x201: {  	_ = 	snop;
	(pc) =	sbr.rel @!p0 .LBB2_3-.Ltmp4, $1  }
0x202: {  	_ =	sdelay $0x3  }
0x203: {  	s21 =	sadd.s32 $0x1, s21  }
0x204: {  	_ =	swait.ge [sflag:s19], $0x2000;
	p0 =	sne.s32 s21, s8  }
.Ltmp5:
0x205: {  	[sflag:s19] =	ssyncset.done $0x0;
	(pc) =	sbr.rel @p0 .LBB2_1-.Ltmp5, $4  }
0x206: {  	[sflag:s19] =	ssyncadd.s32 $0xFFFFE000  }
0x207: {  	_ =	swait.ge [sflag:s20], $0x2000  }
0x208: {  	[sflag:s20] =	ssyncset.done $0x0  }
0x209: {  	[sflag:s20] =	ssyncadd.s32 $0xFFFFE000  }
0x20a: {  	_ =	sfence.sel $0x180000  }
0x20b: {  	[bflag:$0x0] =	sbarrier.arrive $0xFFFF  }
0x20c: {  	p0 =	sne.s32 s1, $0x0;
	_ =	strace $0x90000047  }
0x20d: {  	s0 =	sadd.s32 @!p0 $0x100000, s0;
	[bflag:$0x2] =	sbarrier.arrive $0xFFFF  }
0x20e: {  	[sflag:s0] =	ssyncadd.tile.s32 @!p0 $0x1;
	_ =	shalt  }
.Lfunc_end2:
_tile_overlayer_lowered:
.L_overlay_start_2:
0x20f: {  	(tag) =	ssettag $0x2  }
0x210: {  	s0 =	rddreg [dreg:$0x0];
	s2 =	stileid.u32  }
0x211: {  	s1 =	rddreg [dreg:$0x1];
	p0 =	sne.s32 s2, $0x0  }
0x212: {  	s3 =	rddreg [dreg:$0x2];
	[bflag:$0x3] =	sbarrier.arrive $0xFFFF;
	s2 =	simm.s32 @!p0 $0x1C05  }
0x213: {  	[timem:s3], [sflag:s2] =	dma.local @!p0 [hbm:s0], s1  }
0x214: {  	s0 =	simm.s32 @!p0 $0x5  }
0x215: {  	_ =	swait.ge @!p0 [sflag:s0], s1  }
0x216: {  	s1 =	ssub.s32 @!p0 $0x0, s1;
	[sflag:s0] =	ssyncset.done @!p0 $0x0  }
0x217: {  	[sflag:s0] =	ssyncadd.s32 @!p0 s1  }
0x218: {  	[bflag:$0x3] =	sbarrier.arrive $0xFFFF  }
0x219: {  	_ =	shalt  }

</sc_bundles>
